<compile_context>
chip_gen: v7x
topology: tpu7x:2x2x1
jax: 0.10.2.dev20260603
libtpu: 0.0.44.dev20260713+nightly
codegen_flags: <defaults>
</compile_context>

<pallas_src>
import functools

import jax
import jax.numpy as jnp
from jax import lax
from jax.experimental import pallas as pl
from jax.experimental.pallas import tpu as pltpu
from jax.experimental.pallas import tpu_sc as plsc


N_TOK = 1024
N_KEEP = 512
D = 96


def _rank_idx_body(tok_ref, w_ref, idx_ref, pad_ref):
    for b in range(tok_ref.shape[1]):
        _rank_idx_step(tok_ref, w_ref, idx_ref, pad_ref, b)


def _rank_idx_step(tok_ref, w_ref, idx_ref, pad_ref, b):
    tokens = tok_ref[0, b]
    w = w_ref[...]
    tok_r = tokens.astype(jnp.bfloat16).astype(jnp.float32)
    w_r = w.astype(jnp.bfloat16).astype(jnp.float32)
    sc_row = lax.dot_general(w_r, tok_r, (((1,), (1,)), ((), ())),
                             preferred_element_type=jnp.float32)
    e_row = jnp.exp(sc_row - jnp.max(sc_row, axis=1, keepdims=True))
    s_row = e_row / jnp.sum(e_row, axis=1, keepdims=True)
    i_col = lax.broadcasted_iota(jnp.int32, (N_TOK, 1), 0)
    i_row = lax.broadcasted_iota(jnp.int32, (1, N_TOK), 1)
    s_col = lax.transpose(s_row, (1, 0))
    beats = (s_col > s_row) | ((s_col == s_row) & (i_col < i_row))
    rank_row = jnp.sum(beats.astype(jnp.float32), axis=0, keepdims=True)
    r_col = lax.broadcasted_iota(jnp.int32, (N_KEEP, 1), 0).astype(jnp.float32)
    sel = (rank_row == r_col).astype(jnp.float32)
    idx = jnp.sum(sel * i_row.astype(jnp.float32), axis=1,
                  keepdims=True)
    c = pl.program_id(0)
    base = (c * 8 + b) * N_TOK
    idx_ref[0, b] = idx.astype(jnp.int32) + base
    pad_ref[0, b, :, :D] = tokens


def _first_argmax_col(m):
    mx = jnp.max(m, axis=1, keepdims=True)
    j = lax.broadcasted_iota(jnp.int32, m.shape, 1)
    return jnp.min(jnp.where(m == mx, j, m.shape[1]), axis=1, keepdims=True)


def _normalize(x):
    n = jnp.sqrt(jnp.sum(x * x, axis=1, keepdims=True))
    return x / jnp.maximum(n, 1e-8)


def _pairs_body(p_ref, out_ref):
    for q in range(p_ref.shape[0] - 1):
        _pair_step(p_ref, out_ref, q)


def _pair_step(p_ref, out_ref, q):
    p1 = p_ref[q, 0][:, :D]
    p2 = p_ref[q + 1, 0][:, :D]
    sim = lax.dot_general(_normalize(p1), _normalize(p2),
                          (((1,), (1,)), ((), ())),
                          preferred_element_type=jnp.float32)
    top = _first_argmax_col(sim)
    j_row = lax.broadcasted_iota(jnp.int32, (N_KEEP, N_KEEP), 1)
    g1 = (top == j_row).astype(jnp.float32)
    x = (p1 + p2) * 0.5
    x1 = x.astype(jnp.bfloat16).astype(jnp.float32)
    r1 = x - x1
    x2 = r1.astype(jnp.bfloat16).astype(jnp.float32)
    x3 = r1 - x2
    nt = (((1,), (0,)), ((), ()))
    merged = ((lax.dot_general(g1, x1, nt, preferred_element_type=jnp.float32)
               + lax.dot_general(g1, x2, nt, preferred_element_type=jnp.float32))
              + lax.dot_general(g1, x3, nt, preferred_element_type=jnp.float32))
    sn = _normalize(merged)
    sim2 = lax.dot_general(sn, sn, (((1,), (1,)), ((), ())),
                           preferred_element_type=jnp.float32)
    top2 = _first_argmax_col(sim2)
    counts = jnp.sum((top2 == j_row).astype(jnp.float32), axis=0,
                     keepdims=True)
    out_ref[q, 0] = lax.dot_general(counts, merged, (((1,), (0,)), ((), ())),
                                    preferred_element_type=jnp.float32,
                                    precision=lax.Precision.HIGHEST) * (1.0 / N_KEEP)


DP = 128
_IDX_CHUNK = 128
_HALF = 512


def _make_sc_gather(n_rows, rows_per_worker):
    mesh = plsc.VectorSubcoreMesh(core_axis_name="c", subcore_axis_name="s")
    info = plsc.get_sparse_core_info()
    num_cores = info.num_cores

    @functools.partial(
        pl.kernel,
        mesh=mesh,
        out_type=jax.ShapeDtypeStruct((n_rows, DP), jnp.float32),
        scratch_types=[
            pltpu.VMEM((rows_per_worker,), jnp.int32),
            pltpu.VMEM((_HALF, DP), jnp.float32),
            pltpu.SemaphoreType.DMA,
        ],
    )
    def gather(table_hbm, idx_hbm, out_hbm, idx_v, rows_v, sem):
        wid = lax.axis_index("s") * num_cores + lax.axis_index("c")
        base = wid * rows_per_worker
        pltpu.sync_copy(idx_hbm.at[pl.ds(base, rows_per_worker)], idx_v)
        for h in range(rows_per_worker // _HALF):
            cps = [
                pltpu.async_copy(
                    table_hbm.at[idx_v.at[pl.ds(h * _HALF + j * _IDX_CHUNK,
                                                _IDX_CHUNK)]],
                    rows_v.at[pl.ds(j * _IDX_CHUNK, _IDX_CHUNK)],
                    sem,
                )
                for j in range(_HALF // _IDX_CHUNK)
            ]
            for cp in cps:
                cp.wait()
            pltpu.sync_copy(rows_v, out_hbm.at[pl.ds(base + h * _HALF, _HALF)])

    return gather


@jax.jit
def kernel(clip_embeddings_list, W_imp, b_imp):
    del b_imp
    n_clips, batch = clip_embeddings_list.shape[:2]

    idx, table4 = pl.pallas_call(
        _rank_idx_body,
        grid=(n_clips,),
        in_specs=[
            pl.BlockSpec((1, batch, N_TOK, D), lambda c: (c, 0, 0, 0)),
            pl.BlockSpec((1, D), lambda c: (0, 0)),
        ],
        out_specs=[
            pl.BlockSpec((1, batch, N_KEEP, 1), lambda c: (c, 0, 0, 0)),
            pl.BlockSpec((1, batch, N_TOK, DP), lambda c: (c, 0, 0, 0)),
        ],
        out_shape=[
            jax.ShapeDtypeStruct((n_clips, batch, N_KEEP, 1), jnp.int32),
            jax.ShapeDtypeStruct((n_clips, batch, N_TOK, DP), jnp.float32),
        ],
    )(clip_embeddings_list, W_imp)

    n_rows = n_clips * batch * N_KEEP
    table = table4.reshape(n_clips * batch * N_TOK, DP)
    gather = _make_sc_gather(n_rows, n_rows // 32)
    processed = gather(table, idx.reshape(n_rows)).reshape(
        n_clips, batch, N_KEEP, DP)

    out = pl.pallas_call(
        _pairs_body,
        grid=(batch,),
        in_specs=[
            pl.BlockSpec((n_clips, 1, N_KEEP, DP), lambda b: (0, b, 0, 0)),
        ],
        out_specs=pl.BlockSpec((n_clips - 1, 1, 1, D), lambda b: (0, b, 0, 0)),
        out_shape=jax.ShapeDtypeStruct((n_clips - 1, batch, 1, D), jnp.float32),
    )(processed)
    return out

# --- scband reference (transcript-rebuilt; emitter-appended) ---
"""Pipeline reference for scband-tempmeblock-12266426598095 (READ-ONLY COPY).

The authoritative reference and input builder live on the scoring server;
editing this copy changes nothing except your own understanding.
"""

import jax, jax.numpy as jnp
import numpy as np

IMG_REDUCTION = 0.5
CROSS_MERGE_RATIO = 0.5
INTRA_MERGE_RATIO = 0.5


def setup_inputs(seed: int = 0) -> dict:
    key = jax.random.key(seed)
    k1, k2 = jax.random.split(key, 2)
    clips = jax.random.normal(k1, (8, 8, 1024, 96), dtype=jnp.float32)
    W_imp = jax.random.normal(k2, (1, 96), dtype=jnp.float32) * 0.1
    b_imp = jnp.zeros((1,), dtype=jnp.float32)
    return {"clip_embeddings_list": clips, "W_imp": W_imp, "b_imp": b_imp}


def _cosine_sim(a, b):
    an = a / jnp.maximum(jnp.linalg.norm(a, axis=-1, keepdims=True), 1e-8)
    bn = b / jnp.maximum(jnp.linalg.norm(b, axis=-1, keepdims=True), 1e-8)
    return jnp.einsum('bnd,bmd->bnm', an, bn)


def _imgme(tokens, W, b):
    # token_importance linear -> softmax -> top-k keep -> gather
    scores = (tokens @ W.T + b)[..., 0]  # [B, N]
    weights = jax.nn.softmax(scores, axis=-1)
    num_keep = int(tokens.shape[1] * (1.0 - IMG_REDUCTION))
    _, idx = jax.lax.top_k(weights, num_keep)  # [B, keep]
    return jnp.take_along_axis(tokens, idx[..., None], axis=1)


def _cross(c1, c2):
    sim = _cosine_sim(c1, c2)  # [B, N, N]
    num_keep = int(c1.shape[1] * CROSS_MERGE_RATIO)
    _, idx = jax.lax.top_k(sim, num_keep)  # [B, N, keep]
    top = idx[:, :, 0]  # [B, N]
    s1 = jnp.take_along_axis(c1, top[..., None], axis=1)
    s2 = jnp.take_along_axis(c2, top[..., None], axis=1)
    return (s1 + s2) / 2.0


def _intra(c):
    sim = _cosine_sim(c, c)  # [B, N, N]
    num_keep = int(c.shape[1] * INTRA_MERGE_RATIO)
    _, idx = jax.lax.top_k(sim, num_keep)  # [B, N, keep]
    top = idx[:, :, 0]  # argmax-similarity column (see notes re: torch shape bug)
    sel = jnp.take_along_axis(c, top[..., None], axis=1)
    return sel.mean(axis=1, keepdims=True)  # [B, 1, D]


def reference(clip_embeddings_list, W_imp, b_imp):
    n_clips = clip_embeddings_list.shape[0]
    clips = [clip_embeddings_list[i] for i in range(n_clips)]
    processed = [_imgme(c, W_imp, b_imp) for c in clips]
    cross = [_cross(processed[i], processed[i + 1]) for i in range(len(processed) - 1)]
    final = [_intra(c) for c in cross]
    return jnp.stack(final, axis=0)  # [n_clips-1, B, 1, D]

if __name__ == "__main__":
    import jax
    _d = setup_inputs()
    print(jax.jit(kernel)(*tuple(_d.values())))

</pallas_src>

<mosaic_0001>
#map = affine_map<(d0, d1) -> (0, 0)>
#map1 = affine_map<(d0, d1) -> (0)>
module attributes {stable_mosaic.version = 14 : i64} {
  func.func @gather(%arg0: i32, %arg1: i32, %arg2: memref<65536x128xf32, #tpu.memory_space<hbm>>, %arg3: memref<32768xi32, #tpu.memory_space<hbm>>, %arg4: memref<32768x128xf32, #tpu.memory_space<hbm>>, %arg5: memref<1024xi32, #tpu.memory_space<vmem>>, %arg6: memref<512x128xf32, #tpu.memory_space<vmem>>, %arg7: memref<!tpu.dma_semaphore, #tpu.memory_space<semaphore_mem>>) attributes {dimension_semantics = [#tpu.dimension_semantics<core_parallel>, #tpu.dimension_semantics<subcore_parallel>], iteration_bounds = array<i64: 2, 16>, scalar_prefetch = 0 : i64, scratch_operands = 3 : i64, tpu.core_type = #tpu.core_type<sc_vector_subcore>, window_params = [{transform_indices = #map}, {transform_indices = #map1}, {transform_indices = #map}]} {
    %mul3A = arith.constant 2 : i32
    %mul3A_0 = arith.muli %arg1, %mul3A : i32
    %add3A = arith.addi %mul3A_0, %arg0 : i32
    %mul3A_1 = arith.constant 1024 : i32
    %mul3A_2 = arith.muli %add3A, %mul3A_1 : i32
    "tpu.region"() ({
      %run_scoped3A = tpu.sem_alloc : memref<!tpu.dma_semaphore, #tpu.memory_space<semaphore_mem>>
      %dma_start3A_133 = tpu.memref_slice %arg3[%mul3A_2] : memref<32768xi32, #tpu.memory_space<hbm>> -> memref<1024xi32, #tpu.memory_space<hbm>>
      %dma_start3A_134 = tpu.memref_slice %arg3[%mul3A_2] : memref<32768xi32, #tpu.memory_space<hbm>> -> memref<1024xi32, #tpu.memory_space<hbm>>
      tpu.enqueue_dma source(%dma_start3A_134 : memref<1024xi32, #tpu.memory_space<hbm>>) target(%arg5 : memref<1024xi32, #tpu.memory_space<vmem>>) target_semaphore(%run_scoped3A : memref<!tpu.dma_semaphore, #tpu.memory_space<semaphore_mem>>)
      %dma_wait3A_135 = tpu.memref_slice %arg3[%mul3A_2] : memref<32768xi32, #tpu.memory_space<hbm>> -> memref<1024xi32, #tpu.memory_space<hbm>>
      %dma_wait3A_136 = tpu.memref_slice %arg3[%mul3A_2] : memref<32768xi32, #tpu.memory_space<hbm>> -> memref<1024xi32, #tpu.memory_space<hbm>>
      tpu.wait_dma2 semaphore(%run_scoped3A : memref<!tpu.dma_semaphore, #tpu.memory_space<semaphore_mem>>) src(%dma_wait3A_136 : memref<1024xi32, #tpu.memory_space<hbm>>) dst(%arg5 : memref<1024xi32, #tpu.memory_space<vmem>>)
      tpu.yield
    }) : () -> ()
    %dma_start3A = arith.constant 0 : i32
    %dma_start3A_3 = arith.constant 0 : i32
    %dma_start3A_4 = tpu.memref_slice %arg6[%dma_start3A, %dma_start3A_3] : memref<512x128xf32, #tpu.memory_space<vmem>> -> memref<128x128xf32, #tpu.memory_space<vmem>>
    %dma_start3A_5 = arith.constant 0 : i32
    %dma_start3A_6 = tpu.memref_slice %arg5[%dma_start3A_5] : memref<1024xi32, #tpu.memory_space<vmem>> -> memref<128xi32, #tpu.memory_space<vmem>>
    %dma_start3A_7 = arith.constant 0 : i32
    %dma_start3A_8 = arith.constant 0 : i32
    %dma_start3A_9 = tpu.memref_slice %arg2[%dma_start3A_7, %dma_start3A_8] : memref<65536x128xf32, #tpu.memory_space<hbm>> -> memref<65536x128xf32, #tpu.memory_space<hbm>>
    tpu.enqueue_indirect_dma source(%dma_start3A_9 : memref<65536x128xf32, #tpu.memory_space<hbm>>) target(%dma_start3A_4 : memref<128x128xf32, #tpu.memory_space<vmem>>) offsets(%dma_start3A_6 : memref<128xi32, #tpu.memory_space<vmem>>) semaphore(%arg7 : memref<!tpu.dma_semaphore, #tpu.memory_space<semaphore_mem>>)
    %dma_start3A_10 = arith.constant 128 : i32
    %dma_start3A_11 = arith.constant 0 : i32
    %dma_start3A_12 = tpu.memref_slice %arg6[%dma_start3A_10, %dma_start3A_11] : memref<512x128xf32, #tpu.memory_space<vmem>> -> memref<128x128xf32, #tpu.memory_space<vmem>>
    %dma_start3A_13 = arith.constant 128 : i32
    %dma_start3A_14 = tpu.memref_slice %arg5[%dma_start3A_13] : memref<1024xi32, #tpu.memory_space<vmem>> -> memref<128xi32, #tpu.memory_space<vmem>>
    %dma_start3A_15 = arith.constant 0 : i32
    %dma_start3A_16 = arith.constant 0 : i32
    %dma_start3A_17 = tpu.memref_slice %arg2[%dma_start3A_15, %dma_start3A_16] : memref<65536x128xf32, #tpu.memory_space<hbm>> -> memref<65536x128xf32, #tpu.memory_space<hbm>>
    tpu.enqueue_indirect_dma source(%dma_start3A_17 : memref<65536x128xf32, #tpu.memory_space<hbm>>) target(%dma_start3A_12 : memref<128x128xf32, #tpu.memory_space<vmem>>) offsets(%dma_start3A_14 : memref<128xi32, #tpu.memory_space<vmem>>) semaphore(%arg7 : memref<!tpu.dma_semaphore, #tpu.memory_space<semaphore_mem>>)
    %dma_start3A_18 = arith.constant 256 : i32
    %dma_start3A_19 = arith.constant 0 : i32
    %dma_start3A_20 = tpu.memref_slice %arg6[%dma_start3A_18, %dma_start3A_19] : memref<512x128xf32, #tpu.memory_space<vmem>> -> memref<128x128xf32, #tpu.memory_space<vmem>>
    %dma_start3A_21 = arith.constant 256 : i32
    %dma_start3A_22 = tpu.memref_slice %arg5[%dma_start3A_21] : memref<1024xi32, #tpu.memory_space<vmem>> -> memref<128xi32, #tpu.memory_space<vmem>>
    %dma_start3A_23 = arith.constant 0 : i32
    %dma_start3A_24 = arith.constant 0 : i32
    %dma_start3A_25 = tpu.memref_slice %arg2[%dma_start3A_23, %dma_start3A_24] : memref<65536x128xf32, #tpu.memory_space<hbm>> -> memref<65536x128xf32, #tpu.memory_space<hbm>>
    tpu.enqueue_indirect_dma source(%dma_start3A_25 : memref<65536x128xf32, #tpu.memory_space<hbm>>) target(%dma_start3A_20 : memref<128x128xf32, #tpu.memory_space<vmem>>) offsets(%dma_start3A_22 : memref<128xi32, #tpu.memory_space<vmem>>) semaphore(%arg7 : memref<!tpu.dma_semaphore, #tpu.memory_space<semaphore_mem>>)
    %dma_start3A_26 = arith.constant 384 : i32
    %dma_start3A_27 = arith.constant 0 : i32
    %dma_start3A_28 = tpu.memref_slice %arg6[%dma_start3A_26, %dma_start3A_27] : memref<512x128xf32, #tpu.memory_space<vmem>> -> memref<128x128xf32, #tpu.memory_space<vmem>>
    %dma_start3A_29 = arith.constant 384 : i32
    %dma_start3A_30 = tpu.memref_slice %arg5[%dma_start3A_29] : memref<1024xi32, #tpu.memory_space<vmem>> -> memref<128xi32, #tpu.memory_space<vmem>>
    %dma_start3A_31 = arith.constant 0 : i32
    %dma_start3A_32 = arith.constant 0 : i32
    %dma_start3A_33 = tpu.memref_slice %arg2[%dma_start3A_31, %dma_start3A_32] : memref<65536x128xf32, #tpu.memory_space<hbm>> -> memref<65536x128xf32, #tpu.memory_space<hbm>>
    tpu.enqueue_indirect_dma source(%dma_start3A_33 : memref<65536x128xf32, #tpu.memory_space<hbm>>) target(%dma_start3A_28 : memref<128x128xf32, #tpu.memory_space<vmem>>) offsets(%dma_start3A_30 : memref<128xi32, #tpu.memory_space<vmem>>) semaphore(%arg7 : memref<!tpu.dma_semaphore, #tpu.memory_space<semaphore_mem>>)
    %dma_wait3A = arith.constant 0 : i32
    %dma_wait3A_34 = arith.constant 0 : i32
    %dma_wait3A_35 = tpu.memref_slice %arg6[%dma_wait3A, %dma_wait3A_34] : memref<512x128xf32, #tpu.memory_space<vmem>> -> memref<128x128xf32, #tpu.memory_space<vmem>>
    %dma_wait3A_36 = arith.constant 0 : i32
    %dma_wait3A_37 = tpu.memref_slice %arg5[%dma_wait3A_36] : memref<1024xi32, #tpu.memory_space<vmem>> -> memref<128xi32, #tpu.memory_space<vmem>>
    %dma_wait3A_38 = arith.constant 0 : i32
    %dma_wait3A_39 = arith.constant 0 : i32
    %dma_wait3A_40 = tpu.memref_slice %arg2[%dma_wait3A_38, %dma_wait3A_39] : memref<65536x128xf32, #tpu.memory_space<hbm>> -> memref<65536x128xf32, #tpu.memory_space<hbm>>
    tpu.wait_indirect_dma semaphore(%arg7 : memref<!tpu.dma_semaphore, #tpu.memory_space<semaphore_mem>>) src(%dma_wait3A_40 : memref<65536x128xf32, #tpu.memory_space<hbm>>) dst(%dma_wait3A_35 : memref<128x128xf32, #tpu.memory_space<vmem>>)
    %dma_wait3A_41 = arith.constant 128 : i32
    %dma_wait3A_42 = arith.constant 0 : i32
    %dma_wait3A_43 = tpu.memref_slice %arg6[%dma_wait3A_41, %dma_wait3A_42] : memref<512x128xf32, #tpu.memory_space<vmem>> -> memref<128x128xf32, #tpu.memory_space<vmem>>
    %dma_wait3A_44 = arith.constant 128 : i32
    %dma_wait3A_45 = tpu.memref_slice %arg5[%dma_wait3A_44] : memref<1024xi32, #tpu.memory_space<vmem>> -> memref<128xi32, #tpu.memory_space<vmem>>
    %dma_wait3A_46 = arith.constant 0 : i32
    %dma_wait3A_47 = arith.constant 0 : i32
    %dma_wait3A_48 = tpu.memref_slice %arg2[%dma_wait3A_46, %dma_wait3A_47] : memref<65536x128xf32, #tpu.memory_space<hbm>> -> memref<65536x128xf32, #tpu.memory_space<hbm>>
    tpu.wait_indirect_dma semaphore(%arg7 : memref<!tpu.dma_semaphore, #tpu.memory_space<semaphore_mem>>) src(%dma_wait3A_48 : memref<65536x128xf32, #tpu.memory_space<hbm>>) dst(%dma_wait3A_43 : memref<128x128xf32, #tpu.memory_space<vmem>>)
    %dma_wait3A_49 = arith.constant 256 : i32
    %dma_wait3A_50 = arith.constant 0 : i32
    %dma_wait3A_51 = tpu.memref_slice %arg6[%dma_wait3A_49, %dma_wait3A_50] : memref<512x128xf32, #tpu.memory_space<vmem>> -> memref<128x128xf32, #tpu.memory_space<vmem>>
    %dma_wait3A_52 = arith.constant 256 : i32
    %dma_wait3A_53 = tpu.memref_slice %arg5[%dma_wait3A_52] : memref<1024xi32, #tpu.memory_space<vmem>> -> memref<128xi32, #tpu.memory_space<vmem>>
    %dma_wait3A_54 = arith.constant 0 : i32
    %dma_wait3A_55 = arith.constant 0 : i32
    %dma_wait3A_56 = tpu.memref_slice %arg2[%dma_wait3A_54, %dma_wait3A_55] : memref<65536x128xf32, #tpu.memory_space<hbm>> -> memref<65536x128xf32, #tpu.memory_space<hbm>>
    tpu.wait_indirect_dma semaphore(%arg7 : memref<!tpu.dma_semaphore, #tpu.memory_space<semaphore_mem>>) src(%dma_wait3A_56 : memref<65536x128xf32, #tpu.memory_space<hbm>>) dst(%dma_wait3A_51 : memref<128x128xf32, #tpu.memory_space<vmem>>)
    %dma_wait3A_57 = arith.constant 384 : i32
    %dma_wait3A_58 = arith.constant 0 : i32
    %dma_wait3A_59 = tpu.memref_slice %arg6[%dma_wait3A_57, %dma_wait3A_58] : memref<512x128xf32, #tpu.memory_space<vmem>> -> memref<128x128xf32, #tpu.memory_space<vmem>>
    %dma_wait3A_60 = arith.constant 384 : i32
    %dma_wait3A_61 = tpu.memref_slice %arg5[%dma_wait3A_60] : memref<1024xi32, #tpu.memory_space<vmem>> -> memref<128xi32, #tpu.memory_space<vmem>>
    %dma_wait3A_62 = arith.constant 0 : i32
    %dma_wait3A_63 = arith.constant 0 : i32
    %dma_wait3A_64 = tpu.memref_slice %arg2[%dma_wait3A_62, %dma_wait3A_63] : memref<65536x128xf32, #tpu.memory_space<hbm>> -> memref<65536x128xf32, #tpu.memory_space<hbm>>
    tpu.wait_indirect_dma semaphore(%arg7 : memref<!tpu.dma_semaphore, #tpu.memory_space<semaphore_mem>>) src(%dma_wait3A_64 : memref<65536x128xf32, #tpu.memory_space<hbm>>) dst(%dma_wait3A_59 : memref<128x128xf32, #tpu.memory_space<vmem>>)
    %add3A_65 = arith.constant 0 : i32
    %add3A_66 = arith.addi %mul3A_2, %add3A_65 : i32
    "tpu.region"() ({
      %run_scoped3A = tpu.sem_alloc : memref<!tpu.dma_semaphore, #tpu.memory_space<semaphore_mem>>
      %dma_start3A_133 = arith.constant 0 : i32
      %dma_start3A_134 = tpu.memref_slice %arg4[%add3A_66, %dma_start3A_133] : memref<32768x128xf32, #tpu.memory_space<hbm>> -> memref<512x128xf32, #tpu.memory_space<hbm>>
      %dma_start3A_135 = arith.constant 0 : i32
      %dma_start3A_136 = tpu.memref_slice %arg4[%add3A_66, %dma_start3A_135] : memref<32768x128xf32, #tpu.memory_space<hbm>> -> memref<512x128xf32, #tpu.memory_space<hbm>>
      tpu.enqueue_dma source(%arg6 : memref<512x128xf32, #tpu.memory_space<vmem>>) target(%dma_start3A_136 : memref<512x128xf32, #tpu.memory_space<hbm>>) target_semaphore(%run_scoped3A : memref<!tpu.dma_semaphore, #tpu.memory_space<semaphore_mem>>)
      %dma_wait3A_137 = arith.constant 0 : i32
      %dma_wait3A_138 = tpu.memref_slice %arg4[%add3A_66, %dma_wait3A_137] : memref<32768x128xf32, #tpu.memory_space<hbm>> -> memref<512x128xf32, #tpu.memory_space<hbm>>
      %dma_wait3A_139 = arith.constant 0 : i32
      %dma_wait3A_140 = tpu.memref_slice %arg4[%add3A_66, %dma_wait3A_139] : memref<32768x128xf32, #tpu.memory_space<hbm>> -> memref<512x128xf32, #tpu.memory_space<hbm>>
      tpu.wait_dma2 semaphore(%run_scoped3A : memref<!tpu.dma_semaphore, #tpu.memory_space<semaphore_mem>>) src(%arg6 : memref<512x128xf32, #tpu.memory_space<vmem>>) dst(%dma_wait3A_140 : memref<512x128xf32, #tpu.memory_space<hbm>>)
      tpu.yield
    }) : () -> ()
    %dma_start3A_67 = arith.constant 0 : i32
    %dma_start3A_68 = arith.constant 0 : i32
    %dma_start3A_69 = tpu.memref_slice %arg6[%dma_start3A_67, %dma_start3A_68] : memref<512x128xf32, #tpu.memory_space<vmem>> -> memref<128x128xf32, #tpu.memory_space<vmem>>
    %dma_start3A_70 = arith.constant 512 : i32
    %dma_start3A_71 = tpu.memref_slice %arg5[%dma_start3A_70] : memref<1024xi32, #tpu.memory_space<vmem>> -> memref<128xi32, #tpu.memory_space<vmem>>
    %dma_start3A_72 = arith.constant 0 : i32
    %dma_start3A_73 = arith.constant 0 : i32
    %dma_start3A_74 = tpu.memref_slice %arg2[%dma_start3A_72, %dma_start3A_73] : memref<65536x128xf32, #tpu.memory_space<hbm>> -> memref<65536x128xf32, #tpu.memory_space<hbm>>
    tpu.enqueue_indirect_dma source(%dma_start3A_74 : memref<65536x128xf32, #tpu.memory_space<hbm>>) target(%dma_start3A_69 : memref<128x128xf32, #tpu.memory_space<vmem>>) offsets(%dma_start3A_71 : memref<128xi32, #tpu.memory_space<vmem>>) semaphore(%arg7 : memref<!tpu.dma_semaphore, #tpu.memory_space<semaphore_mem>>)
    %dma_start3A_75 = arith.constant 128 : i32
    %dma_start3A_76 = arith.constant 0 : i32
    %dma_start3A_77 = tpu.memref_slice %arg6[%dma_start3A_75, %dma_start3A_76] : memref<512x128xf32, #tpu.memory_space<vmem>> -> memref<128x128xf32, #tpu.memory_space<vmem>>
    %dma_start3A_78 = arith.constant 640 : i32
    %dma_start3A_79 = tpu.memref_slice %arg5[%dma_start3A_78] : memref<1024xi32, #tpu.memory_space<vmem>> -> memref<128xi32, #tpu.memory_space<vmem>>
    %dma_start3A_80 = arith.constant 0 : i32
    %dma_start3A_81 = arith.constant 0 : i32
    %dma_start3A_82 = tpu.memref_slice %arg2[%dma_start3A_80, %dma_start3A_81] : memref<65536x128xf32, #tpu.memory_space<hbm>> -> memref<65536x128xf32, #tpu.memory_space<hbm>>
    tpu.enqueue_indirect_dma source(%dma_start3A_82 : memref<65536x128xf32, #tpu.memory_space<hbm>>) target(%dma_start3A_77 : memref<128x128xf32, #tpu.memory_space<vmem>>) offsets(%dma_start3A_79 : memref<128xi32, #tpu.memory_space<vmem>>) semaphore(%arg7 : memref<!tpu.dma_semaphore, #tpu.memory_space<semaphore_mem>>)
    %dma_start3A_83 = arith.constant 256 : i32
    %dma_start3A_84 = arith.constant 0 : i32
    %dma_start3A_85 = tpu.memref_slice %arg6[%dma_start3A_83, %dma_start3A_84] : memref<512x128xf32, #tpu.memory_space<vmem>> -> memref<128x128xf32, #tpu.memory_space<vmem>>
    %dma_start3A_86 = arith.constant 768 : i32
    %dma_start3A_87 = tpu.memref_slice %arg5[%dma_start3A_86] : memref<1024xi32, #tpu.memory_space<vmem>> -> memref<128xi32, #tpu.memory_space<vmem>>
    %dma_start3A_88 = arith.constant 0 : i32
    %dma_start3A_89 = arith.constant 0 : i32
    %dma_start3A_90 = tpu.memref_slice %arg2[%dma_start3A_88, %dma_start3A_89] : memref<65536x128xf32, #tpu.memory_space<hbm>> -> memref<65536x128xf32, #tpu.memory_space<hbm>>
    tpu.enqueue_indirect_dma source(%dma_start3A_90 : memref<65536x128xf32, #tpu.memory_space<hbm>>) target(%dma_start3A_85 : memref<128x128xf32, #tpu.memory_space<vmem>>) offsets(%dma_start3A_87 : memref<128xi32, #tpu.memory_space<vmem>>) semaphore(%arg7 : memref<!tpu.dma_semaphore, #tpu.memory_space<semaphore_mem>>)
    %dma_start3A_91 = arith.constant 384 : i32
    %dma_start3A_92 = arith.constant 0 : i32
    %dma_start3A_93 = tpu.memref_slice %arg6[%dma_start3A_91, %dma_start3A_92] : memref<512x128xf32, #tpu.memory_space<vmem>> -> memref<128x128xf32, #tpu.memory_space<vmem>>
    %dma_start3A_94 = arith.constant 896 : i32
    %dma_start3A_95 = tpu.memref_slice %arg5[%dma_start3A_94] : memref<1024xi32, #tpu.memory_space<vmem>> -> memref<128xi32, #tpu.memory_space<vmem>>
    %dma_start3A_96 = arith.constant 0 : i32
    %dma_start3A_97 = arith.constant 0 : i32
    %dma_start3A_98 = tpu.memref_slice %arg2[%dma_start3A_96, %dma_start3A_97] : memref<65536x128xf32, #tpu.memory_space<hbm>> -> memref<65536x128xf32, #tpu.memory_space<hbm>>
    tpu.enqueue_indirect_dma source(%dma_start3A_98 : memref<65536x128xf32, #tpu.memory_space<hbm>>) target(%dma_start3A_93 : memref<128x128xf32, #tpu.memory_space<vmem>>) offsets(%dma_start3A_95 : memref<128xi32, #tpu.memory_space<vmem>>) semaphore(%arg7 : memref<!tpu.dma_semaphore, #tpu.memory_space<semaphore_mem>>)
    %dma_wait3A_99 = arith.constant 0 : i32
    %dma_wait3A_100 = arith.constant 0 : i32
    %dma_wait3A_101 = tpu.memref_slice %arg6[%dma_wait3A_99, %dma_wait3A_100] : memref<512x128xf32, #tpu.memory_space<vmem>> -> memref<128x128xf32, #tpu.memory_space<vmem>>
    %dma_wait3A_102 = arith.constant 512 : i32
    %dma_wait3A_103 = tpu.memref_slice %arg5[%dma_wait3A_102] : memref<1024xi32, #tpu.memory_space<vmem>> -> memref<128xi32, #tpu.memory_space<vmem>>
    %dma_wait3A_104 = arith.constant 0 : i32
    %dma_wait3A_105 = arith.constant 0 : i32
    %dma_wait3A_106 = tpu.memref_slice %arg2[%dma_wait3A_104, %dma_wait3A_105] : memref<65536x128xf32, #tpu.memory_space<hbm>> -> memref<65536x128xf32, #tpu.memory_space<hbm>>
    tpu.wait_indirect_dma semaphore(%arg7 : memref<!tpu.dma_semaphore, #tpu.memory_space<semaphore_mem>>) src(%dma_wait3A_106 : memref<65536x128xf32, #tpu.memory_space<hbm>>) dst(%dma_wait3A_101 : memref<128x128xf32, #tpu.memory_space<vmem>>)
    %dma_wait3A_107 = arith.constant 128 : i32
    %dma_wait3A_108 = arith.constant 0 : i32
    %dma_wait3A_109 = tpu.memref_slice %arg6[%dma_wait3A_107, %dma_wait3A_108] : memref<512x128xf32, #tpu.memory_space<vmem>> -> memref<128x128xf32, #tpu.memory_space<vmem>>
    %dma_wait3A_110 = arith.constant 640 : i32
    %dma_wait3A_111 = tpu.memref_slice %arg5[%dma_wait3A_110] : memref<1024xi32, #tpu.memory_space<vmem>> -> memref<128xi32, #tpu.memory_space<vmem>>
    %dma_wait3A_112 = arith.constant 0 : i32
    %dma_wait3A_113 = arith.constant 0 : i32
    %dma_wait3A_114 = tpu.memref_slice %arg2[%dma_wait3A_112, %dma_wait3A_113] : memref<65536x128xf32, #tpu.memory_space<hbm>> -> memref<65536x128xf32, #tpu.memory_space<hbm>>
    tpu.wait_indirect_dma semaphore(%arg7 : memref<!tpu.dma_semaphore, #tpu.memory_space<semaphore_mem>>) src(%dma_wait3A_114 : memref<65536x128xf32, #tpu.memory_space<hbm>>) dst(%dma_wait3A_109 : memref<128x128xf32, #tpu.memory_space<vmem>>)
    %dma_wait3A_115 = arith.constant 256 : i32
    %dma_wait3A_116 = arith.constant 0 : i32
    %dma_wait3A_117 = tpu.memref_slice %arg6[%dma_wait3A_115, %dma_wait3A_116] : memref<512x128xf32, #tpu.memory_space<vmem>> -> memref<128x128xf32, #tpu.memory_space<vmem>>
    %dma_wait3A_118 = arith.constant 768 : i32
    %dma_wait3A_119 = tpu.memref_slice %arg5[%dma_wait3A_118] : memref<1024xi32, #tpu.memory_space<vmem>> -> memref<128xi32, #tpu.memory_space<vmem>>
    %dma_wait3A_120 = arith.constant 0 : i32
    %dma_wait3A_121 = arith.constant 0 : i32
    %dma_wait3A_122 = tpu.memref_slice %arg2[%dma_wait3A_120, %dma_wait3A_121] : memref<65536x128xf32, #tpu.memory_space<hbm>> -> memref<65536x128xf32, #tpu.memory_space<hbm>>
    tpu.wait_indirect_dma semaphore(%arg7 : memref<!tpu.dma_semaphore, #tpu.memory_space<semaphore_mem>>) src(%dma_wait3A_122 : memref<65536x128xf32, #tpu.memory_space<hbm>>) dst(%dma_wait3A_117 : memref<128x128xf32, #tpu.memory_space<vmem>>)
    %dma_wait3A_123 = arith.constant 384 : i32
    %dma_wait3A_124 = arith.constant 0 : i32
    %dma_wait3A_125 = tpu.memref_slice %arg6[%dma_wait3A_123, %dma_wait3A_124] : memref<512x128xf32, #tpu.memory_space<vmem>> -> memref<128x128xf32, #tpu.memory_space<vmem>>
    %dma_wait3A_126 = arith.constant 896 : i32
    %dma_wait3A_127 = tpu.memref_slice %arg5[%dma_wait3A_126] : memref<1024xi32, #tpu.memory_space<vmem>> -> memref<128xi32, #tpu.memory_space<vmem>>
    %dma_wait3A_128 = arith.constant 0 : i32
    %dma_wait3A_129 = arith.constant 0 : i32
    %dma_wait3A_130 = tpu.memref_slice %arg2[%dma_wait3A_128, %dma_wait3A_129] : memref<65536x128xf32, #tpu.memory_space<hbm>> -> memref<65536x128xf32, #tpu.memory_space<hbm>>
    tpu.wait_indirect_dma semaphore(%arg7 : memref<!tpu.dma_semaphore, #tpu.memory_space<semaphore_mem>>) src(%dma_wait3A_130 : memref<65536x128xf32, #tpu.memory_space<hbm>>) dst(%dma_wait3A_125 : memref<128x128xf32, #tpu.memory_space<vmem>>)
    %add3A_131 = arith.constant 512 : i32
    %add3A_132 = arith.addi %mul3A_2, %add3A_131 : i32
    "tpu.region"() ({
      %run_scoped3A = tpu.sem_alloc : memref<!tpu.dma_semaphore, #tpu.memory_space<semaphore_mem>>
      %dma_start3A_133 = arith.constant 0 : i32
      %dma_start3A_134 = tpu.memref_slice %arg4[%add3A_132, %dma_start3A_133] : memref<32768x128xf32, #tpu.memory_space<hbm>> -> memref<512x128xf32, #tpu.memory_space<hbm>>
      %dma_start3A_135 = arith.constant 0 : i32
      %dma_start3A_136 = tpu.memref_slice %arg4[%add3A_132, %dma_start3A_135] : memref<32768x128xf32, #tpu.memory_space<hbm>> -> memref<512x128xf32, #tpu.memory_space<hbm>>
      tpu.enqueue_dma source(%arg6 : memref<512x128xf32, #tpu.memory_space<vmem>>) target(%dma_start3A_136 : memref<512x128xf32, #tpu.memory_space<hbm>>) target_semaphore(%run_scoped3A : memref<!tpu.dma_semaphore, #tpu.memory_space<semaphore_mem>>)
      %dma_wait3A_137 = arith.constant 0 : i32
      %dma_wait3A_138 = tpu.memref_slice %arg4[%add3A_132, %dma_wait3A_137] : memref<32768x128xf32, #tpu.memory_space<hbm>> -> memref<512x128xf32, #tpu.memory_space<hbm>>
      %dma_wait3A_139 = arith.constant 0 : i32
      %dma_wait3A_140 = tpu.memref_slice %arg4[%add3A_132, %dma_wait3A_139] : memref<32768x128xf32, #tpu.memory_space<hbm>> -> memref<512x128xf32, #tpu.memory_space<hbm>>
      tpu.wait_dma2 semaphore(%run_scoped3A : memref<!tpu.dma_semaphore, #tpu.memory_space<semaphore_mem>>) src(%arg6 : memref<512x128xf32, #tpu.memory_space<vmem>>) dst(%dma_wait3A_140 : memref<512x128xf32, #tpu.memory_space<hbm>>)
      tpu.yield
    }) : () -> ()
    return
  }
}

module attributes {stable_mosaic.version = 14 : i64} {
  func.func @_rank_idx_body(%arg0: i32, %arg1: memref<1x8x1024x96xf32, #tpu.memory_space<vmem>>, %arg2: memref<1x96xf32, #tpu.memory_space<vmem>>, %arg3: memref<1x8x512x1xi32, #tpu.memory_space<vmem>>, %arg4: memref<1x8x1024x128xf32, #tpu.memory_space<vmem>>) attributes {dimension_semantics = [#tpu.dimension_semantics<arbitrary>], iteration_bounds = array<i64: 8>, scalar_prefetch = 0 : i64, scratch_operands = 0 : i64, tpu.core_type = #tpu.core_type<tc>, window_params = [{transform_indices = @transform_0, window_bounds = array<i64: 1, 8, 1024, 96>}, {pipeline_mode = #tpu.pipeline_mode<synchronous>, transform_indices = @transform_1, window_bounds = array<i64: 1, 96>}, {transform_indices = @transform_2, window_bounds = array<i64: 1, 8, 512, 1>}, {transform_indices = @transform_3, window_bounds = array<i64: 1, 8, 1024, 128>}]} {
    %get3A = arith.constant 0 : index
    %get3A_0 = arith.constant 0 : index
    %get3A_1 = arith.constant 0 : index
    %get3A_2 = arith.constant 0 : index
    %get3A_3 = vector.load %arg1[%get3A, %get3A_0, %get3A_1, %get3A_2] : memref<1x8x1024x96xf32, #tpu.memory_space<vmem>>, vector<1x1x1024x96xf32>
    %get3A_4 = vector.shape_cast %get3A_3 : vector<1x1x1024x96xf32> to vector<1024x96xf32>
    %get3A_5 = arith.constant 0 : index
    %get3A_6 = arith.constant 0 : index
    %get3A_7 = vector.load %arg2[%get3A_5, %get3A_6] : memref<1x96xf32, #tpu.memory_space<vmem>>, vector<1x96xf32>
    %convert_element_type3A = arith.truncf %get3A_4 : vector<1024x96xf32> to vector<1024x96xbf16>
    %convert_element_type3A_8 = arith.extf %convert_element_type3A : vector<1024x96xbf16> to vector<1024x96xf32>
    %convert_element_type3A_9 = arith.truncf %get3A_7 : vector<1x96xf32> to vector<1x96xbf16>
    %convert_element_type3A_10 = arith.extf %convert_element_type3A_9 : vector<1x96xbf16> to vector<1x96xf32>
    %dot_general3A = arith.constant dense<0.000000e+00> : vector<1x1024xf32>
    %dot_general3A_11 = tpu.matmul %convert_element_type3A_10, %convert_element_type3A_8, %dot_general3A {dimension_numbers = #tpu.dot_dimension_numbers<[1], [1], [0], [0], [0, 0, 1, 0], [], []>, transpose_lhs_hint = false} : vector<1x96xf32>, vector<1024x96xf32>, vector<1x1024xf32> -> vector<1x1024xf32>
    %reduce_max3A = arith.constant dense<0xFF800000> : vector<1xf32>
    %reduce_max3A_12 = vector.multi_reduction <maximumf>, %dot_general3A_11, %reduce_max3A [1] : vector<1x1024xf32> to vector<1xf32>
    %broadcast_in_dim3A = vector.shape_cast %reduce_max3A_12 : vector<1xf32> to vector<1x1xf32>
    %sub3A = vector.broadcast %broadcast_in_dim3A : vector<1x1xf32> to vector<1x1024xf32>
    %sub3A_13 = arith.subf %dot_general3A_11, %sub3A : vector<1x1024xf32>
    %exp3A = math.exp %sub3A_13 : vector<1x1024xf32>
    %reduce_sum3A = arith.constant dense<0.000000e+00> : vector<1xf32>
    %reduce_sum3A_14 = vector.multi_reduction <add>, %exp3A, %reduce_sum3A [1] : vector<1x1024xf32> to vector<1xf32>
    %broadcast_in_dim3A_15 = vector.shape_cast %reduce_sum3A_14 : vector<1xf32> to vector<1x1xf32>
    %div3A = vector.broadcast %broadcast_in_dim3A_15 : vector<1x1xf32> to vector<1x1024xf32>
    %div3A_16 = arith.divf %exp3A, %div3A : vector<1x1024xf32>
    %iota3A = tpu.iota {dimensions = array<i32: 0>} : vector<1024x1xi32>
    %iota3A_17 = tpu.iota {dimensions = array<i32: 1>} : vector<1x1024xi32>
    %transpose3A = tpu.transpose %div3A_16, [1, 0] : vector<1x1024xf32> -> vector<1024x1xf32>
    %gt3A = vector.broadcast %transpose3A : vector<1024x1xf32> to vector<1024x1024xf32>
    %gt3A_18 = vector.broadcast %div3A_16 : vector<1x1024xf32> to vector<1024x1024xf32>
    %gt3A_19 = arith.cmpf ogt, %gt3A, %gt3A_18 : vector<1024x1024xf32>
    %eq3A = vector.broadcast %transpose3A : vector<1024x1xf32> to vector<1024x1024xf32>
    %eq3A_20 = vector.broadcast %div3A_16 : vector<1x1024xf32> to vector<1024x1024xf32>
    %eq3A_21 = arith.cmpf oeq, %eq3A, %eq3A_20 : vector<1024x1024xf32>
    %lt3A = vector.broadcast %iota3A : vector<1024x1xi32> to vector<1024x1024xi32>
    %lt3A_22 = vector.broadcast %iota3A_17 : vector<1x1024xi32> to vector<1024x1024xi32>
    %lt3A_23 = arith.cmpi slt, %lt3A, %lt3A_22 : vector<1024x1024xi32>
    %and3A = arith.andi %eq3A_21, %lt3A_23 : vector<1024x1024xi1>
    %or3A = arith.ori %gt3A_19, %and3A : vector<1024x1024xi1>
    %convert_element_type3A_24 = arith.extui %or3A : vector<1024x1024xi1> to vector<1024x1024xi32>
    %convert_element_type3A_25 = arith.sitofp %convert_element_type3A_24 : vector<1024x1024xi32> to vector<1024x1024xf32>
    %reduce_sum3A_26 = arith.constant dense<0.000000e+00> : vector<1024xf32>
    %reduce_sum3A_27 = vector.multi_reduction <add>, %convert_element_type3A_25, %reduce_sum3A_26 [0] : vector<1024x1024xf32> to vector<1024xf32>
    %broadcast_in_dim3A_28 = vector.shape_cast %reduce_sum3A_27 : vector<1024xf32> to vector<1x1024xf32>
    %iota3A_29 = tpu.iota {dimensions = array<i32: 0>} : vector<512x1xi32>
    %convert_element_type3A_30 = arith.sitofp %iota3A_29 : vector<512x1xi32> to vector<512x1xf32>
    %eq3A_31 = vector.broadcast %broadcast_in_dim3A_28 : vector<1x1024xf32> to vector<512x1024xf32>
    %eq3A_32 = vector.broadcast %convert_element_type3A_30 : vector<512x1xf32> to vector<512x1024xf32>
    %eq3A_33 = arith.cmpf oeq, %eq3A_31, %eq3A_32 : vector<512x1024xf32>
    %convert_element_type3A_34 = arith.extui %eq3A_33 : vector<512x1024xi1> to vector<512x1024xi32>
    %convert_element_type3A_35 = arith.sitofp %convert_element_type3A_34 : vector<512x1024xi32> to vector<512x1024xf32>
    %convert_element_type3A_36 = arith.sitofp %iota3A_17 : vector<1x1024xi32> to vector<1x1024xf32>
    %mul3A = vector.broadcast %convert_element_type3A_36 : vector<1x1024xf32> to vector<512x1024xf32>
    %mul3A_37 = arith.mulf %convert_element_type3A_35, %mul3A : vector<512x1024xf32>
    %reduce_sum3A_38 = arith.constant dense<0.000000e+00> : vector<512xf32>
    %reduce_sum3A_39 = vector.multi_reduction <add>, %mul3A_37, %reduce_sum3A_38 [1] : vector<512x1024xf32> to vector<512xf32>
    %broadcast_in_dim3A_40 = vector.shape_cast %reduce_sum3A_39 : vector<512xf32> to vector<512x1xf32>
    %mul3A_41 = arith.constant 8 : i32
    %mul3A_42 = arith.muli %arg0, %mul3A_41 : i32
    %add3A = arith.constant 0 : i32
    %add3A_43 = arith.addi %mul3A_42, %add3A : i32
    %mul3A_44 = arith.constant 1024 : i32
    %mul3A_45 = arith.muli %add3A_43, %mul3A_44 : i32
    %convert_element_type3A_46 = arith.fptosi %broadcast_in_dim3A_40 : vector<512x1xf32> to vector<512x1xi32>
    %add3A_47 = vector.broadcast %mul3A_45 : i32 to vector<512x1xi32>
    %add3A_48 = arith.addi %convert_element_type3A_46, %add3A_47 : vector<512x1xi32>
    %swap3A = arith.constant 0 : index
    %swap3A_49 = arith.constant 0 : index
    %swap3A_50 = arith.constant 0 : index
    %swap3A_51 = arith.constant 0 : index
    %swap3A_52 = vector.load %arg3[%swap3A, %swap3A_49, %swap3A_50, %swap3A_51] : memref<1x8x512x1xi32, #tpu.memory_space<vmem>>, vector<1x1x512x1xi32>
    %swap3A_53 = vector.shape_cast %swap3A_52 : vector<1x1x512x1xi32> to vector<512x1xi32>
    %swap3A_54 = vector.shape_cast %add3A_48 : vector<512x1xi32> to vector<1x1x512x1xi32>
    tpu.vector_store %arg3[%swap3A, %swap3A_49, %swap3A_50, %swap3A_51], %swap3A_54 {strides = array<i32>} : memref<1x8x512x1xi32, #tpu.memory_space<vmem>>, vector<1x1x512x1xi32>,
    %swap3A_55 = arith.constant 0 : index
    %swap3A_56 = arith.constant 0 : index
    %swap3A_57 = arith.constant 0 : index
    %swap3A_58 = arith.constant 0 : index
    %swap3A_59 = vector.load %arg4[%swap3A_55, %swap3A_56, %swap3A_57, %swap3A_58] : memref<1x8x1024x128xf32, #tpu.memory_space<vmem>>, vector<1x1x1024x96xf32>
    %swap3A_60 = vector.shape_cast %swap3A_59 : vector<1x1x1024x96xf32> to vector<1024x96xf32>
    %swap3A_61 = vector.shape_cast %get3A_4 : vector<1024x96xf32> to vector<1x1x1024x96xf32>
    tpu.vector_store %arg4[%swap3A_55, %swap3A_56, %swap3A_57, %swap3A_58], %swap3A_61 {strides = array<i32>} : memref<1x8x1024x128xf32, #tpu.memory_space<vmem>>, vector<1x1x1024x96xf32>,
    %get3A_62 = arith.constant 0 : index
    %get3A_63 = arith.constant 1 : index
    %get3A_64 = arith.constant 0 : index
    %get3A_65 = arith.constant 0 : index
    %get3A_66 = vector.load %arg1[%get3A_62, %get3A_63, %get3A_64, %get3A_65] : memref<1x8x1024x96xf32, #tpu.memory_space<vmem>>, vector<1x1x1024x96xf32>
    %get3A_67 = vector.shape_cast %get3A_66 : vector<1x1x1024x96xf32> to vector<1024x96xf32>
    %get3A_68 = arith.constant 0 : index
    %get3A_69 = arith.constant 0 : index
    %get3A_70 = vector.load %arg2[%get3A_68, %get3A_69] : memref<1x96xf32, #tpu.memory_space<vmem>>, vector<1x96xf32>
    %convert_element_type3A_71 = arith.truncf %get3A_67 : vector<1024x96xf32> to vector<1024x96xbf16>
    %convert_element_type3A_72 = arith.extf %convert_element_type3A_71 : vector<1024x96xbf16> to vector<1024x96xf32>
    %convert_element_type3A_73 = arith.truncf %get3A_70 : vector<1x96xf32> to vector<1x96xbf16>
    %convert_element_type3A_74 = arith.extf %convert_element_type3A_73 : vector<1x96xbf16> to vector<1x96xf32>
    %dot_general3A_75 = arith.constant dense<0.000000e+00> : vector<1x1024xf32>
    %dot_general3A_76 = tpu.matmul %convert_element_type3A_74, %convert_element_type3A_72, %dot_general3A_75 {dimension_numbers = #tpu.dot_dimension_numbers<[1], [1], [0], [0], [0, 0, 1, 0], [], []>, transpose_lhs_hint = false} : vector<1x96xf32>, vector<1024x96xf32>, vector<1x1024xf32> -> vector<1x1024xf32>
    %reduce_max3A_77 = arith.constant dense<0xFF800000> : vector<1xf32>
    %reduce_max3A_78 = vector.multi_reduction <maximumf>, %dot_general3A_76, %reduce_max3A_77 [1] : vector<1x1024xf32> to vector<1xf32>
    %broadcast_in_dim3A_79 = vector.shape_cast %reduce_max3A_78 : vector<1xf32> to vector<1x1xf32>
    %sub3A_80 = vector.broadcast %broadcast_in_dim3A_79 : vector<1x1xf32> to vector<1x1024xf32>
    %sub3A_81 = arith.subf %dot_general3A_76, %sub3A_80 : vector<1x1024xf32>
    %exp3A_82 = math.exp %sub3A_81 : vector<1x1024xf32>
    %reduce_sum3A_83 = arith.constant dense<0.000000e+00> : vector<1xf32>
    %reduce_sum3A_84 = vector.multi_reduction <add>, %exp3A_82, %reduce_sum3A_83 [1] : vector<1x1024xf32> to vector<1xf32>
    %broadcast_in_dim3A_85 = vector.shape_cast %reduce_sum3A_84 : vector<1xf32> to vector<1x1xf32>
    %div3A_86 = vector.broadcast %broadcast_in_dim3A_85 : vector<1x1xf32> to vector<1x1024xf32>
    %div3A_87 = arith.divf %exp3A_82, %div3A_86 : vector<1x1024xf32>
    %iota3A_88 = tpu.iota {dimensions = array<i32: 0>} : vector<1024x1xi32>
    %iota3A_89 = tpu.iota {dimensions = array<i32: 1>} : vector<1x1024xi32>
    %transpose3A_90 = tpu.transpose %div3A_87, [1, 0] : vector<1x1024xf32> -> vector<1024x1xf32>
    %gt3A_91 = vector.broadcast %transpose3A_90 : vector<1024x1xf32> to vector<1024x1024xf32>
    %gt3A_92 = vector.broadcast %div3A_87 : vector<1x1024xf32> to vector<1024x1024xf32>
    %gt3A_93 = arith.cmpf ogt, %gt3A_91, %gt3A_92 : vector<1024x1024xf32>
    %eq3A_94 = vector.broadcast %transpose3A_90 : vector<1024x1xf32> to vector<1024x1024xf32>
    %eq3A_95 = vector.broadcast %div3A_87 : vector<1x1024xf32> to vector<1024x1024xf32>
    %eq3A_96 = arith.cmpf oeq, %eq3A_94, %eq3A_95 : vector<1024x1024xf32>
    %lt3A_97 = vector.broadcast %iota3A_88 : vector<1024x1xi32> to vector<1024x1024xi32>
    %lt3A_98 = vector.broadcast %iota3A_89 : vector<1x1024xi32> to vector<1024x1024xi32>
    %lt3A_99 = arith.cmpi slt, %lt3A_97, %lt3A_98 : vector<1024x1024xi32>
    %and3A_100 = arith.andi %eq3A_96, %lt3A_99 : vector<1024x1024xi1>
    %or3A_101 = arith.ori %gt3A_93, %and3A_100 : vector<1024x1024xi1>
    %convert_element_type3A_102 = arith.extui %or3A_101 : vector<1024x1024xi1> to vector<1024x1024xi32>
    %convert_element_type3A_103 = arith.sitofp %convert_element_type3A_102 : vector<1024x1024xi32> to vector<1024x1024xf32>
    %reduce_sum3A_104 = arith.constant dense<0.000000e+00> : vector<1024xf32>
    %reduce_sum3A_105 = vector.multi_reduction <add>, %convert_element_type3A_103, %reduce_sum3A_104 [0] : vector<1024x1024xf32> to vector<1024xf32>
    %broadcast_in_dim3A_106 = vector.shape_cast %reduce_sum3A_105 : vector<1024xf32> to vector<1x1024xf32>
    %iota3A_107 = tpu.iota {dimensions = array<i32: 0>} : vector<512x1xi32>
    %convert_element_type3A_108 = arith.sitofp %iota3A_107 : vector<512x1xi32> to vector<512x1xf32>
    %eq3A_109 = vector.broadcast %broadcast_in_dim3A_106 : vector<1x1024xf32> to vector<512x1024xf32>
    %eq3A_110 = vector.broadcast %convert_element_type3A_108 : vector<512x1xf32> to vector<512x1024xf32>
    %eq3A_111 = arith.cmpf oeq, %eq3A_109, %eq3A_110 : vector<512x1024xf32>
    %convert_element_type3A_112 = arith.extui %eq3A_111 : vector<512x1024xi1> to vector<512x1024xi32>
    %convert_element_type3A_113 = arith.sitofp %convert_element_type3A_112 : vector<512x1024xi32> to vector<512x1024xf32>
    %convert_element_type3A_114 = arith.sitofp %iota3A_89 : vector<1x1024xi32> to vector<1x1024xf32>
    %mul3A_115 = vector.broadcast %convert_element_type3A_114 : vector<1x1024xf32> to vector<512x1024xf32>
    %mul3A_116 = arith.mulf %convert_element_type3A_113, %mul3A_115 : vector<512x1024xf32>
    %reduce_sum3A_117 = arith.constant dense<0.000000e+00> : vector<512xf32>
    %reduce_sum3A_118 = vector.multi_reduction <add>, %mul3A_116, %reduce_sum3A_117 [1] : vector<512x1024xf32> to vector<512xf32>
    %broadcast_in_dim3A_119 = vector.shape_cast %reduce_sum3A_118 : vector<512xf32> to vector<512x1xf32>
    %mul3A_120 = arith.constant 8 : i32
    %mul3A_121 = arith.muli %arg0, %mul3A_120 : i32
    %add3A_122 = arith.constant 1 : i32
    %add3A_123 = arith.addi %mul3A_121, %add3A_122 : i32
    %mul3A_124 = arith.constant 1024 : i32
    %mul3A_125 = arith.muli %add3A_123, %mul3A_124 : i32
    %convert_element_type3A_126 = arith.fptosi %broadcast_in_dim3A_119 : vector<512x1xf32> to vector<512x1xi32>
    %add3A_127 = vector.broadcast %mul3A_125 : i32 to vector<512x1xi32>
    %add3A_128 = arith.addi %convert_element_type3A_126, %add3A_127 : vector<512x1xi32>
    %swap3A_129 = arith.constant 0 : index
    %swap3A_130 = arith.constant 1 : index
    %swap3A_131 = arith.constant 0 : index
    %swap3A_132 = arith.constant 0 : index
    %swap3A_133 = vector.load %arg3[%swap3A_129, %swap3A_130, %swap3A_131, %swap3A_132] : memref<1x8x512x1xi32, #tpu.memory_space<vmem>>, vector<1x1x512x1xi32>
    %swap3A_134 = vector.shape_cast %swap3A_133 : vector<1x1x512x1xi32> to vector<512x1xi32>
    %swap3A_135 = vector.shape_cast %add3A_128 : vector<512x1xi32> to vector<1x1x512x1xi32>
    tpu.vector_store %arg3[%swap3A_129, %swap3A_130, %swap3A_131, %swap3A_132], %swap3A_135 {strides = array<i32>} : memref<1x8x512x1xi32, #tpu.memory_space<vmem>>, vector<1x1x512x1xi32>,
    %swap3A_136 = arith.constant 0 : index
    %swap3A_137 = arith.constant 1 : index
    %swap3A_138 = arith.constant 0 : index
    %swap3A_139 = arith.constant 0 : index
    %swap3A_140 = vector.load %arg4[%swap3A_136, %swap3A_137, %swap3A_138, %swap3A_139] : memref<1x8x1024x128xf32, #tpu.memory_space<vmem>>, vector<1x1x1024x96xf32>
    %swap3A_141 = vector.shape_cast %swap3A_140 : vector<1x1x1024x96xf32> to vector<1024x96xf32>
    %swap3A_142 = vector.shape_cast %get3A_67 : vector<1024x96xf32> to vector<1x1x1024x96xf32>
    tpu.vector_store %arg4[%swap3A_136, %swap3A_137, %swap3A_138, %swap3A_139], %swap3A_142 {strides = array<i32>} : memref<1x8x1024x128xf32, #tpu.memory_space<vmem>>, vector<1x1x1024x96xf32>,
    %get3A_143 = arith.constant 0 : index
    %get3A_144 = arith.constant 2 : index
    %get3A_145 = arith.constant 0 : index
    %get3A_146 = arith.constant 0 : index
    %get3A_147 = vector.load %arg1[%get3A_143, %get3A_144, %get3A_145, %get3A_146] : memref<1x8x1024x96xf32, #tpu.memory_space<vmem>>, vector<1x1x1024x96xf32>
    %get3A_148 = vector.shape_cast %get3A_147 : vector<1x1x1024x96xf32> to vector<1024x96xf32>
    %get3A_149 = arith.constant 0 : index
    %get3A_150 = arith.constant 0 : index
    %get3A_151 = vector.load %arg2[%get3A_149, %get3A_150] : memref<1x96xf32, #tpu.memory_space<vmem>>, vector<1x96xf32>
    %convert_element_type3A_152 = arith.truncf %get3A_148 : vector<1024x96xf32> to vector<1024x96xbf16>
    %convert_element_type3A_153 = arith.extf %convert_element_type3A_152 : vector<1024x96xbf16> to vector<1024x96xf32>
    %convert_element_type3A_154 = arith.truncf %get3A_151 : vector<1x96xf32> to vector<1x96xbf16>
    %convert_element_type3A_155 = arith.extf %convert_element_type3A_154 : vector<1x96xbf16> to vector<1x96xf32>
    %dot_general3A_156 = arith.constant dense<0.000000e+00> : vector<1x1024xf32>
    %dot_general3A_157 = tpu.matmul %convert_element_type3A_155, %convert_element_type3A_153, %dot_general3A_156 {dimension_numbers = #tpu.dot_dimension_numbers<[1], [1], [0], [0], [0, 0, 1, 0], [], []>, transpose_lhs_hint = false} : vector<1x96xf32>, vector<1024x96xf32>, vector<1x1024xf32> -> vector<1x1024xf32>
    %reduce_max3A_158 = arith.constant dense<0xFF800000> : vector<1xf32>
    %reduce_max3A_159 = vector.multi_reduction <maximumf>, %dot_general3A_157, %reduce_max3A_158 [1] : vector<1x1024xf32> to vector<1xf32>
    %broadcast_in_dim3A_160 = vector.shape_cast %reduce_max3A_159 : vector<1xf32> to vector<1x1xf32>
    %sub3A_161 = vector.broadcast %broadcast_in_dim3A_160 : vector<1x1xf32> to vector<1x1024xf32>
    %sub3A_162 = arith.subf %dot_general3A_157, %sub3A_161 : vector<1x1024xf32>
    %exp3A_163 = math.exp %sub3A_162 : vector<1x1024xf32>
    %reduce_sum3A_164 = arith.constant dense<0.000000e+00> : vector<1xf32>
    %reduce_sum3A_165 = vector.multi_reduction <add>, %exp3A_163, %reduce_sum3A_164 [1] : vector<1x1024xf32> to vector<1xf32>
    %broadcast_in_dim3A_166 = vector.shape_cast %reduce_sum3A_165 : vector<1xf32> to vector<1x1xf32>
    %div3A_167 = vector.broadcast %broadcast_in_dim3A_166 : vector<1x1xf32> to vector<1x1024xf32>
    %div3A_168 = arith.divf %exp3A_163, %div3A_167 : vector<1x1024xf32>
    %iota3A_169 = tpu.iota {dimensions = array<i32: 0>} : vector<1024x1xi32>
    %iota3A_170 = tpu.iota {dimensions = array<i32: 1>} : vector<1x1024xi32>
    %transpose3A_171 = tpu.transpose %div3A_168, [1, 0] : vector<1x1024xf32> -> vector<1024x1xf32>
    %gt3A_172 = vector.broadcast %transpose3A_171 : vector<1024x1xf32> to vector<1024x1024xf32>
    %gt3A_173 = vector.broadcast %div3A_168 : vector<1x1024xf32> to vector<1024x1024xf32>
    %gt3A_174 = arith.cmpf ogt, %gt3A_172, %gt3A_173 : vector<1024x1024xf32>
    %eq3A_175 = vector.broadcast %transpose3A_171 : vector<1024x1xf32> to vector<1024x1024xf32>
    %eq3A_176 = vector.broadcast %div3A_168 : vector<1x1024xf32> to vector<1024x1024xf32>
    %eq3A_177 = arith.cmpf oeq, %eq3A_175, %eq3A_176 : vector<1024x1024xf32>
    %lt3A_178 = vector.broadcast %iota3A_169 : vector<1024x1xi32> to vector<1024x1024xi32>
    %lt3A_179 = vector.broadcast %iota3A_170 : vector<1x1024xi32> to vector<1024x1024xi32>
    %lt3A_180 = arith.cmpi slt, %lt3A_178, %lt3A_179 : vector<1024x1024xi32>
    %and3A_181 = arith.andi %eq3A_177, %lt3A_180 : vector<1024x1024xi1>
    %or3A_182 = arith.ori %gt3A_174, %and3A_181 : vector<1024x1024xi1>
    %convert_element_type3A_183 = arith.extui %or3A_182 : vector<1024x1024xi1> to vector<1024x1024xi32>
    %convert_element_type3A_184 = arith.sitofp %convert_element_type3A_183 : vector<1024x1024xi32> to vector<1024x1024xf32>
    %reduce_sum3A_185 = arith.constant dense<0.000000e+00> : vector<1024xf32>
    %reduce_sum3A_186 = vector.multi_reduction <add>, %convert_element_type3A_184, %reduce_sum3A_185 [0] : vector<1024x1024xf32> to vector<1024xf32>
    %broadcast_in_dim3A_187 = vector.shape_cast %reduce_sum3A_186 : vector<1024xf32> to vector<1x1024xf32>
    %iota3A_188 = tpu.iota {dimensions = array<i32: 0>} : vector<512x1xi32>
    %convert_element_type3A_189 = arith.sitofp %iota3A_188 : vector<512x1xi32> to vector<512x1xf32>
    %eq3A_190 = vector.broadcast %broadcast_in_dim3A_187 : vector<1x1024xf32> to vector<512x1024xf32>
    %eq3A_191 = vector.broadcast %convert_element_type3A_189 : vector<512x1xf32> to vector<512x1024xf32>
    %eq3A_192 = arith.cmpf oeq, %eq3A_190, %eq3A_191 : vector<512x1024xf32>
    %convert_element_type3A_193 = arith.extui %eq3A_192 : vector<512x1024xi1> to vector<512x1024xi32>
    %convert_element_type3A_194 = arith.sitofp %convert_element_type3A_193 : vector<512x1024xi32> to vector<512x1024xf32>
    %convert_element_type3A_195 = arith.sitofp %iota3A_170 : vector<1x1024xi32> to vector<1x1024xf32>
    %mul3A_196 = vector.broadcast %convert_element_type3A_195 : vector<1x1024xf32> to vector<512x1024xf32>
    %mul3A_197 = arith.mulf %convert_element_type3A_194, %mul3A_196 : vector<512x1024xf32>
    %reduce_sum3A_198 = arith.constant dense<0.000000e+00> : vector<512xf32>
    %reduce_sum3A_199 = vector.multi_reduction <add>, %mul3A_197, %reduce_sum3A_198 [1] : vector<512x1024xf32> to vector<512xf32>
    %broadcast_in_dim3A_200 = vector.shape_cast %reduce_sum3A_199 : vector<512xf32> to vector<512x1xf32>
    %mul3A_201 = arith.constant 8 : i32
    %mul3A_202 = arith.muli %arg0, %mul3A_201 : i32
    %add3A_203 = arith.constant 2 : i32
    %add3A_204 = arith.addi %mul3A_202, %add3A_203 : i32
    %mul3A_205 = arith.constant 1024 : i32
    %mul3A_206 = arith.muli %add3A_204, %mul3A_205 : i32
    %convert_element_type3A_207 = arith.fptosi %broadcast_in_dim3A_200 : vector<512x1xf32> to vector<512x1xi32>
    %add3A_208 = vector.broadcast %mul3A_206 : i32 to vector<512x1xi32>
    %add3A_209 = arith.addi %convert_element_type3A_207, %add3A_208 : vector<512x1xi32>
    %swap3A_210 = arith.constant 0 : index
    %swap3A_211 = arith.constant 2 : index
    %swap3A_212 = arith.constant 0 : index
    %swap3A_213 = arith.constant 0 : index
    %swap3A_214 = vector.load %arg3[%swap3A_210, %swap3A_211, %swap3A_212, %swap3A_213] : memref<1x8x512x1xi32, #tpu.memory_space<vmem>>, vector<1x1x512x1xi32>
    %swap3A_215 = vector.shape_cast %swap3A_214 : vector<1x1x512x1xi32> to vector<512x1xi32>
    %swap3A_216 = vector.shape_cast %add3A_209 : vector<512x1xi32> to vector<1x1x512x1xi32>
    tpu.vector_store %arg3[%swap3A_210, %swap3A_211, %swap3A_212, %swap3A_213], %swap3A_216 {strides = array<i32>} : memref<1x8x512x1xi32, #tpu.memory_space<vmem>>, vector<1x1x512x1xi32>,
    %swap3A_217 = arith.constant 0 : index
    %swap3A_218 = arith.constant 2 : index
    %swap3A_219 = arith.constant 0 : index
    %swap3A_220 = arith.constant 0 : index
    %swap3A_221 = vector.load %arg4[%swap3A_217, %swap3A_218, %swap3A_219, %swap3A_220] : memref<1x8x1024x128xf32, #tpu.memory_space<vmem>>, vector<1x1x1024x96xf32>
    %swap3A_222 = vector.shape_cast %swap3A_221 : vector<1x1x1024x96xf32> to vector<1024x96xf32>
    %swap3A_223 = vector.shape_cast %get3A_148 : vector<1024x96xf32> to vector<1x1x1024x96xf32>
    tpu.vector_store %arg4[%swap3A_217, %swap3A_218, %swap3A_219, %swap3A_220], %swap3A_223 {strides = array<i32>} : memref<1x8x1024x128xf32, #tpu.memory_space<vmem>>, vector<1x1x1024x96xf32>,
    %get3A_224 = arith.constant 0 : index
    %get3A_225 = arith.constant 3 : index
    %get3A_226 = arith.constant 0 : index
    %get3A_227 = arith.constant 0 : index
    %get3A_228 = vector.load %arg1[%get3A_224, %get3A_225, %get3A_226, %get3A_227] : memref<1x8x1024x96xf32, #tpu.memory_space<vmem>>, vector<1x1x1024x96xf32>
    %get3A_229 = vector.shape_cast %get3A_228 : vector<1x1x1024x96xf32> to vector<1024x96xf32>
    %get3A_230 = arith.constant 0 : index
    %get3A_231 = arith.constant 0 : index
    %get3A_232 = vector.load %arg2[%get3A_230, %get3A_231] : memref<1x96xf32, #tpu.memory_space<vmem>>, vector<1x96xf32>
    %convert_element_type3A_233 = arith.truncf %get3A_229 : vector<1024x96xf32> to vector<1024x96xbf16>
    %convert_element_type3A_234 = arith.extf %convert_element_type3A_233 : vector<1024x96xbf16> to vector<1024x96xf32>
    %convert_element_type3A_235 = arith.truncf %get3A_232 : vector<1x96xf32> to vector<1x96xbf16>
    %convert_element_type3A_236 = arith.extf %convert_element_type3A_235 : vector<1x96xbf16> to vector<1x96xf32>
    %dot_general3A_237 = arith.constant dense<0.000000e+00> : vector<1x1024xf32>
    %dot_general3A_238 = tpu.matmul %convert_element_type3A_236, %convert_element_type3A_234, %dot_general3A_237 {dimension_numbers = #tpu.dot_dimension_numbers<[1], [1], [0], [0], [0, 0, 1, 0], [], []>, transpose_lhs_hint = false} : vector<1x96xf32>, vector<1024x96xf32>, vector<1x1024xf32> -> vector<1x1024xf32>
    %reduce_max3A_239 = arith.constant dense<0xFF800000> : vector<1xf32>
    %reduce_max3A_240 = vector.multi_reduction <maximumf>, %dot_general3A_238, %reduce_max3A_239 [1] : vector<1x1024xf32> to vector<1xf32>
    %broadcast_in_dim3A_241 = vector.shape_cast %reduce_max3A_240 : vector<1xf32> to vector<1x1xf32>
    %sub3A_242 = vector.broadcast %broadcast_in_dim3A_241 : vector<1x1xf32> to vector<1x1024xf32>
    %sub3A_243 = arith.subf %dot_general3A_238, %sub3A_242 : vector<1x1024xf32>
    %exp3A_244 = math.exp %sub3A_243 : vector<1x1024xf32>
    %reduce_sum3A_245 = arith.constant dense<0.000000e+00> : vector<1xf32>
    %reduce_sum3A_246 = vector.multi_reduction <add>, %exp3A_244, %reduce_sum3A_245 [1] : vector<1x1024xf32> to vector<1xf32>
    %broadcast_in_dim3A_247 = vector.shape_cast %reduce_sum3A_246 : vector<1xf32> to vector<1x1xf32>
    %div3A_248 = vector.broadcast %broadcast_in_dim3A_247 : vector<1x1xf32> to vector<1x1024xf32>
    %div3A_249 = arith.divf %exp3A_244, %div3A_248 : vector<1x1024xf32>
    %iota3A_250 = tpu.iota {dimensions = array<i32: 0>} : vector<1024x1xi32>
    %iota3A_251 = tpu.iota {dimensions = array<i32: 1>} : vector<1x1024xi32>
    %transpose3A_252 = tpu.transpose %div3A_249, [1, 0] : vector<1x1024xf32> -> vector<1024x1xf32>
    %gt3A_253 = vector.broadcast %transpose3A_252 : vector<1024x1xf32> to vector<1024x1024xf32>
    %gt3A_254 = vector.broadcast %div3A_249 : vector<1x1024xf32> to vector<1024x1024xf32>
    %gt3A_255 = arith.cmpf ogt, %gt3A_253, %gt3A_254 : vector<1024x1024xf32>
    %eq3A_256 = vector.broadcast %transpose3A_252 : vector<1024x1xf32> to vector<1024x1024xf32>
    %eq3A_257 = vector.broadcast %div3A_249 : vector<1x1024xf32> to vector<1024x1024xf32>
    %eq3A_258 = arith.cmpf oeq, %eq3A_256, %eq3A_257 : vector<1024x1024xf32>
    %lt3A_259 = vector.broadcast %iota3A_250 : vector<1024x1xi32> to vector<1024x1024xi32>
    %lt3A_260 = vector.broadcast %iota3A_251 : vector<1x1024xi32> to vector<1024x1024xi32>
    %lt3A_261 = arith.cmpi slt, %lt3A_259, %lt3A_260 : vector<1024x1024xi32>
    %and3A_262 = arith.andi %eq3A_258, %lt3A_261 : vector<1024x1024xi1>
    %or3A_263 = arith.ori %gt3A_255, %and3A_262 : vector<1024x1024xi1>
    %convert_element_type3A_264 = arith.extui %or3A_263 : vector<1024x1024xi1> to vector<1024x1024xi32>
    %convert_element_type3A_265 = arith.sitofp %convert_element_type3A_264 : vector<1024x1024xi32> to vector<1024x1024xf32>
    %reduce_sum3A_266 = arith.constant dense<0.000000e+00> : vector<1024xf32>
    %reduce_sum3A_267 = vector.multi_reduction <add>, %convert_element_type3A_265, %reduce_sum3A_266 [0] : vector<1024x1024xf32> to vector<1024xf32>
    %broadcast_in_dim3A_268 = vector.shape_cast %reduce_sum3A_267 : vector<1024xf32> to vector<1x1024xf32>
    %iota3A_269 = tpu.iota {dimensions = array<i32: 0>} : vector<512x1xi32>
    %convert_element_type3A_270 = arith.sitofp %iota3A_269 : vector<512x1xi32> to vector<512x1xf32>
    %eq3A_271 = vector.broadcast %broadcast_in_dim3A_268 : vector<1x1024xf32> to vector<512x1024xf32>
    %eq3A_272 = vector.broadcast %convert_element_type3A_270 : vector<512x1xf32> to vector<512x1024xf32>
    %eq3A_273 = arith.cmpf oeq, %eq3A_271, %eq3A_272 : vector<512x1024xf32>
    %convert_element_type3A_274 = arith.extui %eq3A_273 : vector<512x1024xi1> to vector<512x1024xi32>
    %convert_element_type3A_275 = arith.sitofp %convert_element_type3A_274 : vector<512x1024xi32> to vector<512x1024xf32>
    %convert_element_type3A_276 = arith.sitofp %iota3A_251 : vector<1x1024xi32> to vector<1x1024xf32>
    %mul3A_277 = vector.broadcast %convert_element_type3A_276 : vector<1x1024xf32> to vector<512x1024xf32>
    %mul3A_278 = arith.mulf %convert_element_type3A_275, %mul3A_277 : vector<512x1024xf32>
    %reduce_sum3A_279 = arith.constant dense<0.000000e+00> : vector<512xf32>
    %reduce_sum3A_280 = vector.multi_reduction <add>, %mul3A_278, %reduce_sum3A_279 [1] : vector<512x1024xf32> to vector<512xf32>
    %broadcast_in_dim3A_281 = vector.shape_cast %reduce_sum3A_280 : vector<512xf32> to vector<512x1xf32>
    %mul3A_282 = arith.constant 8 : i32
    %mul3A_283 = arith.muli %arg0, %mul3A_282 : i32
    %add3A_284 = arith.constant 3 : i32
    %add3A_285 = arith.addi %mul3A_283, %add3A_284 : i32
    %mul3A_286 = arith.constant 1024 : i32
    %mul3A_287 = arith.muli %add3A_285, %mul3A_286 : i32
    %convert_element_type3A_288 = arith.fptosi %broadcast_in_dim3A_281 : vector<512x1xf32> to vector<512x1xi32>
    %add3A_289 = vector.broadcast %mul3A_287 : i32 to vector<512x1xi32>
    %add3A_290 = arith.addi %convert_element_type3A_288, %add3A_289 : vector<512x1xi32>
    %swap3A_291 = arith.constant 0 : index
    %swap3A_292 = arith.constant 3 : index
    %swap3A_293 = arith.constant 0 : index
    %swap3A_294 = arith.constant 0 : index
    %swap3A_295 = vector.load %arg3[%swap3A_291, %swap3A_292, %swap3A_293, %swap3A_294] : memref<1x8x512x1xi32, #tpu.memory_space<vmem>>, vector<1x1x512x1xi32>
    %swap3A_296 = vector.shape_cast %swap3A_295 : vector<1x1x512x1xi32> to vector<512x1xi32>
    %swap3A_297 = vector.shape_cast %add3A_290 : vector<512x1xi32> to vector<1x1x512x1xi32>
    tpu.vector_store %arg3[%swap3A_291, %swap3A_292, %swap3A_293, %swap3A_294], %swap3A_297 {strides = array<i32>} : memref<1x8x512x1xi32, #tpu.memory_space<vmem>>, vector<1x1x512x1xi32>,
    %swap3A_298 = arith.constant 0 : index
    %swap3A_299 = arith.constant 3 : index
    %swap3A_300 = arith.constant 0 : index
    %swap3A_301 = arith.constant 0 : index
    %swap3A_302 = vector.load %arg4[%swap3A_298, %swap3A_299, %swap3A_300, %swap3A_301] : memref<1x8x1024x128xf32, #tpu.memory_space<vmem>>, vector<1x1x1024x96xf32>
    %swap3A_303 = vector.shape_cast %swap3A_302 : vector<1x1x1024x96xf32> to vector<1024x96xf32>
    %swap3A_304 = vector.shape_cast %get3A_229 : vector<1024x96xf32> to vector<1x1x1024x96xf32>
    tpu.vector_store %arg4[%swap3A_298, %swap3A_299, %swap3A_300, %swap3A_301], %swap3A_304 {strides = array<i32>} : memref<1x8x1024x128xf32, #tpu.memory_space<vmem>>, vector<1x1x1024x96xf32>,
    %get3A_305 = arith.constant 0 : index
    %get3A_306 = arith.constant 4 : index
    %get3A_307 = arith.constant 0 : index
    %get3A_308 = arith.constant 0 : index
    %get3A_309 = vector.load %arg1[%get3A_305, %get3A_306, %get3A_307, %get3A_308] : memref<1x8x1024x96xf32, #tpu.memory_space<vmem>>, vector<1x1x1024x96xf32>
    %get3A_310 = vector.shape_cast %get3A_309 : vector<1x1x1024x96xf32> to vector<1024x96xf32>
    %get3A_311 = arith.constant 0 : index
    %get3A_312 = arith.constant 0 : index
    %get3A_313 = vector.load %arg2[%get3A_311, %get3A_312] : memref<1x96xf32, #tpu.memory_space<vmem>>, vector<1x96xf32>
    %convert_element_type3A_314 = arith.truncf %get3A_310 : vector<1024x96xf32> to vector<1024x96xbf16>
    %convert_element_type3A_315 = arith.extf %convert_element_type3A_314 : vector<1024x96xbf16> to vector<1024x96xf32>
    %convert_element_type3A_316 = arith.truncf %get3A_313 : vector<1x96xf32> to vector<1x96xbf16>
    %convert_element_type3A_317 = arith.extf %convert_element_type3A_316 : vector<1x96xbf16> to vector<1x96xf32>
    %dot_general3A_318 = arith.constant dense<0.000000e+00> : vector<1x1024xf32>
    %dot_general3A_319 = tpu.matmul %convert_element_type3A_317, %convert_element_type3A_315, %dot_general3A_318 {dimension_numbers = #tpu.dot_dimension_numbers<[1], [1], [0], [0], [0, 0, 1, 0], [], []>, transpose_lhs_hint = false} : vector<1x96xf32>, vector<1024x96xf32>, vector<1x1024xf32> -> vector<1x1024xf32>
    %reduce_max3A_320 = arith.constant dense<0xFF800000> : vector<1xf32>
    %reduce_max3A_321 = vector.multi_reduction <maximumf>, %dot_general3A_319, %reduce_max3A_320 [1] : vector<1x1024xf32> to vector<1xf32>
    %broadcast_in_dim3A_322 = vector.shape_cast %reduce_max3A_321 : vector<1xf32> to vector<1x1xf32>
    %sub3A_323 = vector.broadcast %broadcast_in_dim3A_322 : vector<1x1xf32> to vector<1x1024xf32>
    %sub3A_324 = arith.subf %dot_general3A_319, %sub3A_323 : vector<1x1024xf32>
    %exp3A_325 = math.exp %sub3A_324 : vector<1x1024xf32>
    %reduce_sum3A_326 = arith.constant dense<0.000000e+00> : vector<1xf32>
    %reduce_sum3A_327 = vector.multi_reduction <add>, %exp3A_325, %reduce_sum3A_326 [1] : vector<1x1024xf32> to vector<1xf32>
    %broadcast_in_dim3A_328 = vector.shape_cast %reduce_sum3A_327 : vector<1xf32> to vector<1x1xf32>
    %div3A_329 = vector.broadcast %broadcast_in_dim3A_328 : vector<1x1xf32> to vector<1x1024xf32>
    %div3A_330 = arith.divf %exp3A_325, %div3A_329 : vector<1x1024xf32>
    %iota3A_331 = tpu.iota {dimensions = array<i32: 0>} : vector<1024x1xi32>
    %iota3A_332 = tpu.iota {dimensions = array<i32: 1>} : vector<1x1024xi32>
    %transpose3A_333 = tpu.transpose %div3A_330, [1, 0] : vector<1x1024xf32> -> vector<1024x1xf32>
    %gt3A_334 = vector.broadcast %transpose3A_333 : vector<1024x1xf32> to vector<1024x1024xf32>
    %gt3A_335 = vector.broadcast %div3A_330 : vector<1x1024xf32> to vector<1024x1024xf32>
    %gt3A_336 = arith.cmpf ogt, %gt3A_334, %gt3A_335 : vector<1024x1024xf32>
    %eq3A_337 = vector.broadcast %transpose3A_333 : vector<1024x1xf32> to vector<1024x1024xf32>
    %eq3A_338 = vector.broadcast %div3A_330 : vector<1x1024xf32> to vector<1024x1024xf32>
    %eq3A_339 = arith.cmpf oeq, %eq3A_337, %eq3A_338 : vector<1024x1024xf32>
    %lt3A_340 = vector.broadcast %iota3A_331 : vector<1024x1xi32> to vector<1024x1024xi32>
    %lt3A_341 = vector.broadcast %iota3A_332 : vector<1x1024xi32> to vector<1024x1024xi32>
    %lt3A_342 = arith.cmpi slt, %lt3A_340, %lt3A_341 : vector<1024x1024xi32>
    %and3A_343 = arith.andi %eq3A_339, %lt3A_342 : vector<1024x1024xi1>
    %or3A_344 = arith.ori %gt3A_336, %and3A_343 : vector<1024x1024xi1>
    %convert_element_type3A_345 = arith.extui %or3A_344 : vector<1024x1024xi1> to vector<1024x1024xi32>
    %convert_element_type3A_346 = arith.sitofp %convert_element_type3A_345 : vector<1024x1024xi32> to vector<1024x1024xf32>
    %reduce_sum3A_347 = arith.constant dense<0.000000e+00> : vector<1024xf32>
    %reduce_sum3A_348 = vector.multi_reduction <add>, %convert_element_type3A_346, %reduce_sum3A_347 [0] : vector<1024x1024xf32> to vector<1024xf32>
    %broadcast_in_dim3A_349 = vector.shape_cast %reduce_sum3A_348 : vector<1024xf32> to vector<1x1024xf32>
    %iota3A_350 = tpu.iota {dimensions = array<i32: 0>} : vector<512x1xi32>
    %convert_element_type3A_351 = arith.sitofp %iota3A_350 : vector<512x1xi32> to vector<512x1xf32>
    %eq3A_352 = vector.broadcast %broadcast_in_dim3A_349 : vector<1x1024xf32> to vector<512x1024xf32>
    %eq3A_353 = vector.broadcast %convert_element_type3A_351 : vector<512x1xf32> to vector<512x1024xf32>
    %eq3A_354 = arith.cmpf oeq, %eq3A_352, %eq3A_353 : vector<512x1024xf32>
    %convert_element_type3A_355 = arith.extui %eq3A_354 : vector<512x1024xi1> to vector<512x1024xi32>
    %convert_element_type3A_356 = arith.sitofp %convert_element_type3A_355 : vector<512x1024xi32> to vector<512x1024xf32>
    %convert_element_type3A_357 = arith.sitofp %iota3A_332 : vector<1x1024xi32> to vector<1x1024xf32>
    %mul3A_358 = vector.broadcast %convert_element_type3A_357 : vector<1x1024xf32> to vector<512x1024xf32>
    %mul3A_359 = arith.mulf %convert_element_type3A_356, %mul3A_358 : vector<512x1024xf32>
    %reduce_sum3A_360 = arith.constant dense<0.000000e+00> : vector<512xf32>
    %reduce_sum3A_361 = vector.multi_reduction <add>, %mul3A_359, %reduce_sum3A_360 [1] : vector<512x1024xf32> to vector<512xf32>
    %broadcast_in_dim3A_362 = vector.shape_cast %reduce_sum3A_361 : vector<512xf32> to vector<512x1xf32>
    %mul3A_363 = arith.constant 8 : i32
    %mul3A_364 = arith.muli %arg0, %mul3A_363 : i32
    %add3A_365 = arith.constant 4 : i32
    %add3A_366 = arith.addi %mul3A_364, %add3A_365 : i32
    %mul3A_367 = arith.constant 1024 : i32
    %mul3A_368 = arith.muli %add3A_366, %mul3A_367 : i32
    %convert_element_type3A_369 = arith.fptosi %broadcast_in_dim3A_362 : vector<512x1xf32> to vector<512x1xi32>
    %add3A_370 = vector.broadcast %mul3A_368 : i32 to vector<512x1xi32>
    %add3A_371 = arith.addi %convert_element_type3A_369, %add3A_370 : vector<512x1xi32>
    %swap3A_372 = arith.constant 0 : index
    %swap3A_373 = arith.constant 4 : index
    %swap3A_374 = arith.constant 0 : index
    %swap3A_375 = arith.constant 0 : index
    %swap3A_376 = vector.load %arg3[%swap3A_372, %swap3A_373, %swap3A_374, %swap3A_375] : memref<1x8x512x1xi32, #tpu.memory_space<vmem>>, vector<1x1x512x1xi32>
    %swap3A_377 = vector.shape_cast %swap3A_376 : vector<1x1x512x1xi32> to vector<512x1xi32>
    %swap3A_378 = vector.shape_cast %add3A_371 : vector<512x1xi32> to vector<1x1x512x1xi32>
    tpu.vector_store %arg3[%swap3A_372, %swap3A_373, %swap3A_374, %swap3A_375], %swap3A_378 {strides = array<i32>} : memref<1x8x512x1xi32, #tpu.memory_space<vmem>>, vector<1x1x512x1xi32>,
    %swap3A_379 = arith.constant 0 : index
    %swap3A_380 = arith.constant 4 : index
    %swap3A_381 = arith.constant 0 : index
    %swap3A_382 = arith.constant 0 : index
    %swap3A_383 = vector.load %arg4[%swap3A_379, %swap3A_380, %swap3A_381, %swap3A_382] : memref<1x8x1024x128xf32, #tpu.memory_space<vmem>>, vector<1x1x1024x96xf32>
    %swap3A_384 = vector.shape_cast %swap3A_383 : vector<1x1x1024x96xf32> to vector<1024x96xf32>
    %swap3A_385 = vector.shape_cast %get3A_310 : vector<1024x96xf32> to vector<1x1x1024x96xf32>
    tpu.vector_store %arg4[%swap3A_379, %swap3A_380, %swap3A_381, %swap3A_382], %swap3A_385 {strides = array<i32>} : memref<1x8x1024x128xf32, #tpu.memory_space<vmem>>, vector<1x1x1024x96xf32>,
    %get3A_386 = arith.constant 0 : index
    %get3A_387 = arith.constant 5 : index
    %get3A_388 = arith.constant 0 : index
    %get3A_389 = arith.constant 0 : index
    %get3A_390 = vector.load %arg1[%get3A_386, %get3A_387, %get3A_388, %get3A_389] : memref<1x8x1024x96xf32, #tpu.memory_space<vmem>>, vector<1x1x1024x96xf32>
    %get3A_391 = vector.shape_cast %get3A_390 : vector<1x1x1024x96xf32> to vector<1024x96xf32>
    %get3A_392 = arith.constant 0 : index
    %get3A_393 = arith.constant 0 : index
    %get3A_394 = vector.load %arg2[%get3A_392, %get3A_393] : memref<1x96xf32, #tpu.memory_space<vmem>>, vector<1x96xf32>
    %convert_element_type3A_395 = arith.truncf %get3A_391 : vector<1024x96xf32> to vector<1024x96xbf16>
    %convert_element_type3A_396 = arith.extf %convert_element_type3A_395 : vector<1024x96xbf16> to vector<1024x96xf32>
    %convert_element_type3A_397 = arith.truncf %get3A_394 : vector<1x96xf32> to vector<1x96xbf16>
    %convert_element_type3A_398 = arith.extf %convert_element_type3A_397 : vector<1x96xbf16> to vector<1x96xf32>
    %dot_general3A_399 = arith.constant dense<0.000000e+00> : vector<1x1024xf32>
    %dot_general3A_400 = tpu.matmul %convert_element_type3A_398, %convert_element_type3A_396, %dot_general3A_399 {dimension_numbers = #tpu.dot_dimension_numbers<[1], [1], [0], [0], [0, 0, 1, 0], [], []>, transpose_lhs_hint = false} : vector<1x96xf32>, vector<1024x96xf32>, vector<1x1024xf32> -> vector<1x1024xf32>
    %reduce_max3A_401 = arith.constant dense<0xFF800000> : vector<1xf32>
    %reduce_max3A_402 = vector.multi_reduction <maximumf>, %dot_general3A_400, %reduce_max3A_401 [1] : vector<1x1024xf32> to vector<1xf32>
    %broadcast_in_dim3A_403 = vector.shape_cast %reduce_max3A_402 : vector<1xf32> to vector<1x1xf32>
    %sub3A_404 = vector.broadcast %broadcast_in_dim3A_403 : vector<1x1xf32> to vector<1x1024xf32>
    %sub3A_405 = arith.subf %dot_general3A_400, %sub3A_404 : vector<1x1024xf32>
    %exp3A_406 = math.exp %sub3A_405 : vector<1x1024xf32>
    %reduce_sum3A_407 = arith.constant dense<0.000000e+00> : vector<1xf32>
    %reduce_sum3A_408 = vector.multi_reduction <add>, %exp3A_406, %reduce_sum3A_407 [1] : vector<1x1024xf32> to vector<1xf32>
    %broadcast_in_dim3A_409 = vector.shape_cast %reduce_sum3A_408 : vector<1xf32> to vector<1x1xf32>
    %div3A_410 = vector.broadcast %broadcast_in_dim3A_409 : vector<1x1xf32> to vector<1x1024xf32>
    %div3A_411 = arith.divf %exp3A_406, %div3A_410 : vector<1x1024xf32>
    %iota3A_412 = tpu.iota {dimensions = array<i32: 0>} : vector<1024x1xi32>
    %iota3A_413 = tpu.iota {dimensions = array<i32: 1>} : vector<1x1024xi32>
    %transpose3A_414 = tpu.transpose %div3A_411, [1, 0] : vector<1x1024xf32> -> vector<1024x1xf32>
    %gt3A_415 = vector.broadcast %transpose3A_414 : vector<1024x1xf32> to vector<1024x1024xf32>
    %gt3A_416 = vector.broadcast %div3A_411 : vector<1x1024xf32> to vector<1024x1024xf32>
    %gt3A_417 = arith.cmpf ogt, %gt3A_415, %gt3A_416 : vector<1024x1024xf32>
    %eq3A_418 = vector.broadcast %transpose3A_414 : vector<1024x1xf32> to vector<1024x1024xf32>
    %eq3A_419 = vector.broadcast %div3A_411 : vector<1x1024xf32> to vector<1024x1024xf32>
    %eq3A_420 = arith.cmpf oeq, %eq3A_418, %eq3A_419 : vector<1024x1024xf32>
    %lt3A_421 = vector.broadcast %iota3A_412 : vector<1024x1xi32> to vector<1024x1024xi32>
    %lt3A_422 = vector.broadcast %iota3A_413 : vector<1x1024xi32> to vector<1024x1024xi32>
    %lt3A_423 = arith.cmpi slt, %lt3A_421, %lt3A_422 : vector<1024x1024xi32>
    %and3A_424 = arith.andi %eq3A_420, %lt3A_423 : vector<1024x1024xi1>
    %or3A_425 = arith.ori %gt3A_417, %and3A_424 : vector<1024x1024xi1>
    %convert_element_type3A_426 = arith.extui %or3A_425 : vector<1024x1024xi1> to vector<1024x1024xi32>
    %convert_element_type3A_427 = arith.sitofp %convert_element_type3A_426 : vector<1024x1024xi32> to vector<1024x1024xf32>
    %reduce_sum3A_428 = arith.constant dense<0.000000e+00> : vector<1024xf32>
    %reduce_sum3A_429 = vector.multi_reduction <add>, %convert_element_type3A_427, %reduce_sum3A_428 [0] : vector<1024x1024xf32> to vector<1024xf32>
    %broadcast_in_dim3A_430 = vector.shape_cast %reduce_sum3A_429 : vector<1024xf32> to vector<1x1024xf32>
    %iota3A_431 = tpu.iota {dimensions = array<i32: 0>} : vector<512x1xi32>
    %convert_element_type3A_432 = arith.sitofp %iota3A_431 : vector<512x1xi32> to vector<512x1xf32>
    %eq3A_433 = vector.broadcast %broadcast_in_dim3A_430 : vector<1x1024xf32> to vector<512x1024xf32>
    %eq3A_434 = vector.broadcast %convert_element_type3A_432 : vector<512x1xf32> to vector<512x1024xf32>
    %eq3A_435 = arith.cmpf oeq, %eq3A_433, %eq3A_434 : vector<512x1024xf32>
    %convert_element_type3A_436 = arith.extui %eq3A_435 : vector<512x1024xi1> to vector<512x1024xi32>
    %convert_element_type3A_437 = arith.sitofp %convert_element_type3A_436 : vector<512x1024xi32> to vector<512x1024xf32>
    %convert_element_type3A_438 = arith.sitofp %iota3A_413 : vector<1x1024xi32> to vector<1x1024xf32>
    %mul3A_439 = vector.broadcast %convert_element_type3A_438 : vector<1x1024xf32> to vector<512x1024xf32>
    %mul3A_440 = arith.mulf %convert_element_type3A_437, %mul3A_439 : vector<512x1024xf32>
    %reduce_sum3A_441 = arith.constant dense<0.000000e+00> : vector<512xf32>
    %reduce_sum3A_442 = vector.multi_reduction <add>, %mul3A_440, %reduce_sum3A_441 [1] : vector<512x1024xf32> to vector<512xf32>
    %broadcast_in_dim3A_443 = vector.shape_cast %reduce_sum3A_442 : vector<512xf32> to vector<512x1xf32>
    %mul3A_444 = arith.constant 8 : i32
    %mul3A_445 = arith.muli %arg0, %mul3A_444 : i32
    %add3A_446 = arith.constant 5 : i32
    %add3A_447 = arith.addi %mul3A_445, %add3A_446 : i32
    %mul3A_448 = arith.constant 1024 : i32
    %mul3A_449 = arith.muli %add3A_447, %mul3A_448 : i32
    %convert_element_type3A_450 = arith.fptosi %broadcast_in_dim3A_443 : vector<512x1xf32> to vector<512x1xi32>
    %add3A_451 = vector.broadcast %mul3A_449 : i32 to vector<512x1xi32>
    %add3A_452 = arith.addi %convert_element_type3A_450, %add3A_451 : vector<512x1xi32>
    %swap3A_453 = arith.constant 0 : index
    %swap3A_454 = arith.constant 5 : index
    %swap3A_455 = arith.constant 0 : index
    %swap3A_456 = arith.constant 0 : index
    %swap3A_457 = vector.load %arg3[%swap3A_453, %swap3A_454, %swap3A_455, %swap3A_456] : memref<1x8x512x1xi32, #tpu.memory_space<vmem>>, vector<1x1x512x1xi32>
    %swap3A_458 = vector.shape_cast %swap3A_457 : vector<1x1x512x1xi32> to vector<512x1xi32>
    %swap3A_459 = vector.shape_cast %add3A_452 : vector<512x1xi32> to vector<1x1x512x1xi32>
    tpu.vector_store %arg3[%swap3A_453, %swap3A_454, %swap3A_455, %swap3A_456], %swap3A_459 {strides = array<i32>} : memref<1x8x512x1xi32, #tpu.memory_space<vmem>>, vector<1x1x512x1xi32>,
    %swap3A_460 = arith.constant 0 : index
    %swap3A_461 = arith.constant 5 : index
    %swap3A_462 = arith.constant 0 : index
    %swap3A_463 = arith.constant 0 : index
    %swap3A_464 = vector.load %arg4[%swap3A_460, %swap3A_461, %swap3A_462, %swap3A_463] : memref<1x8x1024x128xf32, #tpu.memory_space<vmem>>, vector<1x1x1024x96xf32>
    %swap3A_465 = vector.shape_cast %swap3A_464 : vector<1x1x1024x96xf32> to vector<1024x96xf32>
    %swap3A_466 = vector.shape_cast %get3A_391 : vector<1024x96xf32> to vector<1x1x1024x96xf32>
    tpu.vector_store %arg4[%swap3A_460, %swap3A_461, %swap3A_462, %swap3A_463], %swap3A_466 {strides = array<i32>} : memref<1x8x1024x128xf32, #tpu.memory_space<vmem>>, vector<1x1x1024x96xf32>,
    %get3A_467 = arith.constant 0 : index
    %get3A_468 = arith.constant 6 : index
    %get3A_469 = arith.constant 0 : index
    %get3A_470 = arith.constant 0 : index
    %get3A_471 = vector.load %arg1[%get3A_467, %get3A_468, %get3A_469, %get3A_470] : memref<1x8x1024x96xf32, #tpu.memory_space<vmem>>, vector<1x1x1024x96xf32>
    %get3A_472 = vector.shape_cast %get3A_471 : vector<1x1x1024x96xf32> to vector<1024x96xf32>
    %get3A_473 = arith.constant 0 : index
    %get3A_474 = arith.constant 0 : index
    %get3A_475 = vector.load %arg2[%get3A_473, %get3A_474] : memref<1x96xf32, #tpu.memory_space<vmem>>, vector<1x96xf32>
    %convert_element_type3A_476 = arith.truncf %get3A_472 : vector<1024x96xf32> to vector<1024x96xbf16>
    %convert_element_type3A_477 = arith.extf %convert_element_type3A_476 : vector<1024x96xbf16> to vector<1024x96xf32>
    %convert_element_type3A_478 = arith.truncf %get3A_475 : vector<1x96xf32> to vector<1x96xbf16>
    %convert_element_type3A_479 = arith.extf %convert_element_type3A_478 : vector<1x96xbf16> to vector<1x96xf32>
    %dot_general3A_480 = arith.constant dense<0.000000e+00> : vector<1x1024xf32>
    %dot_general3A_481 = tpu.matmul %convert_element_type3A_479, %convert_element_type3A_477, %dot_general3A_480 {dimension_numbers = #tpu.dot_dimension_numbers<[1], [1], [0], [0], [0, 0, 1, 0], [], []>, transpose_lhs_hint = false} : vector<1x96xf32>, vector<1024x96xf32>, vector<1x1024xf32> -> vector<1x1024xf32>
    %reduce_max3A_482 = arith.constant dense<0xFF800000> : vector<1xf32>
    %reduce_max3A_483 = vector.multi_reduction <maximumf>, %dot_general3A_481, %reduce_max3A_482 [1] : vector<1x1024xf32> to vector<1xf32>
    %broadcast_in_dim3A_484 = vector.shape_cast %reduce_max3A_483 : vector<1xf32> to vector<1x1xf32>
    %sub3A_485 = vector.broadcast %broadcast_in_dim3A_484 : vector<1x1xf32> to vector<1x1024xf32>
    %sub3A_486 = arith.subf %dot_general3A_481, %sub3A_485 : vector<1x1024xf32>
    %exp3A_487 = math.exp %sub3A_486 : vector<1x1024xf32>
    %reduce_sum3A_488 = arith.constant dense<0.000000e+00> : vector<1xf32>
    %reduce_sum3A_489 = vector.multi_reduction <add>, %exp3A_487, %reduce_sum3A_488 [1] : vector<1x1024xf32> to vector<1xf32>
    %broadcast_in_dim3A_490 = vector.shape_cast %reduce_sum3A_489 : vector<1xf32> to vector<1x1xf32>
    %div3A_491 = vector.broadcast %broadcast_in_dim3A_490 : vector<1x1xf32> to vector<1x1024xf32>
    %div3A_492 = arith.divf %exp3A_487, %div3A_491 : vector<1x1024xf32>
    %iota3A_493 = tpu.iota {dimensions = array<i32: 0>} : vector<1024x1xi32>
    %iota3A_494 = tpu.iota {dimensions = array<i32: 1>} : vector<1x1024xi32>
    %transpose3A_495 = tpu.transpose %div3A_492, [1, 0] : vector<1x1024xf32> -> vector<1024x1xf32>
    %gt3A_496 = vector.broadcast %transpose3A_495 : vector<1024x1xf32> to vector<1024x1024xf32>
    %gt3A_497 = vector.broadcast %div3A_492 : vector<1x1024xf32> to vector<1024x1024xf32>
    %gt3A_498 = arith.cmpf ogt, %gt3A_496, %gt3A_497 : vector<1024x1024xf32>
    %eq3A_499 = vector.broadcast %transpose3A_495 : vector<1024x1xf32> to vector<1024x1024xf32>
    %eq3A_500 = vector.broadcast %div3A_492 : vector<1x1024xf32> to vector<1024x1024xf32>
    %eq3A_501 = arith.cmpf oeq, %eq3A_499, %eq3A_500 : vector<1024x1024xf32>
    %lt3A_502 = vector.broadcast %iota3A_493 : vector<1024x1xi32> to vector<1024x1024xi32>
    %lt3A_503 = vector.broadcast %iota3A_494 : vector<1x1024xi32> to vector<1024x1024xi32>
    %lt3A_504 = arith.cmpi slt, %lt3A_502, %lt3A_503 : vector<1024x1024xi32>
    %and3A_505 = arith.andi %eq3A_501, %lt3A_504 : vector<1024x1024xi1>
    %or3A_506 = arith.ori %gt3A_498, %and3A_505 : vector<1024x1024xi1>
    %convert_element_type3A_507 = arith.extui %or3A_506 : vector<1024x1024xi1> to vector<1024x1024xi32>
    %convert_element_type3A_508 = arith.sitofp %convert_element_type3A_507 : vector<1024x1024xi32> to vector<1024x1024xf32>
    %reduce_sum3A_509 = arith.constant dense<0.000000e+00> : vector<1024xf32>
    %reduce_sum3A_510 = vector.multi_reduction <add>, %convert_element_type3A_508, %reduce_sum3A_509 [0] : vector<1024x1024xf32> to vector<1024xf32>
    %broadcast_in_dim3A_511 = vector.shape_cast %reduce_sum3A_510 : vector<1024xf32> to vector<1x1024xf32>
    %iota3A_512 = tpu.iota {dimensions = array<i32: 0>} : vector<512x1xi32>
    %convert_element_type3A_513 = arith.sitofp %iota3A_512 : vector<512x1xi32> to vector<512x1xf32>
    %eq3A_514 = vector.broadcast %broadcast_in_dim3A_511 : vector<1x1024xf32> to vector<512x1024xf32>
    %eq3A_515 = vector.broadcast %convert_element_type3A_513 : vector<512x1xf32> to vector<512x1024xf32>
    %eq3A_516 = arith.cmpf oeq, %eq3A_514, %eq3A_515 : vector<512x1024xf32>
    %convert_element_type3A_517 = arith.extui %eq3A_516 : vector<512x1024xi1> to vector<512x1024xi32>
    %convert_element_type3A_518 = arith.sitofp %convert_element_type3A_517 : vector<512x1024xi32> to vector<512x1024xf32>
    %convert_element_type3A_519 = arith.sitofp %iota3A_494 : vector<1x1024xi32> to vector<1x1024xf32>
    %mul3A_520 = vector.broadcast %convert_element_type3A_519 : vector<1x1024xf32> to vector<512x1024xf32>
    %mul3A_521 = arith.mulf %convert_element_type3A_518, %mul3A_520 : vector<512x1024xf32>
    %reduce_sum3A_522 = arith.constant dense<0.000000e+00> : vector<512xf32>
    %reduce_sum3A_523 = vector.multi_reduction <add>, %mul3A_521, %reduce_sum3A_522 [1] : vector<512x1024xf32> to vector<512xf32>
    %broadcast_in_dim3A_524 = vector.shape_cast %reduce_sum3A_523 : vector<512xf32> to vector<512x1xf32>
    %mul3A_525 = arith.constant 8 : i32
    %mul3A_526 = arith.muli %arg0, %mul3A_525 : i32
    %add3A_527 = arith.constant 6 : i32
    %add3A_528 = arith.addi %mul3A_526, %add3A_527 : i32
    %mul3A_529 = arith.constant 1024 : i32
    %mul3A_530 = arith.muli %add3A_528, %mul3A_529 : i32
    %convert_element_type3A_531 = arith.fptosi %broadcast_in_dim3A_524 : vector<512x1xf32> to vector<512x1xi32>
    %add3A_532 = vector.broadcast %mul3A_530 : i32 to vector<512x1xi32>
    %add3A_533 = arith.addi %convert_element_type3A_531, %add3A_532 : vector<512x1xi32>
    %swap3A_534 = arith.constant 0 : index
    %swap3A_535 = arith.constant 6 : index
    %swap3A_536 = arith.constant 0 : index
    %swap3A_537 = arith.constant 0 : index
    %swap3A_538 = vector.load %arg3[%swap3A_534, %swap3A_535, %swap3A_536, %swap3A_537] : memref<1x8x512x1xi32, #tpu.memory_space<vmem>>, vector<1x1x512x1xi32>
    %swap3A_539 = vector.shape_cast %swap3A_538 : vector<1x1x512x1xi32> to vector<512x1xi32>
    %swap3A_540 = vector.shape_cast %add3A_533 : vector<512x1xi32> to vector<1x1x512x1xi32>
    tpu.vector_store %arg3[%swap3A_534, %swap3A_535, %swap3A_536, %swap3A_537], %swap3A_540 {strides = array<i32>} : memref<1x8x512x1xi32, #tpu.memory_space<vmem>>, vector<1x1x512x1xi32>,
    %swap3A_541 = arith.constant 0 : index
    %swap3A_542 = arith.constant 6 : index
    %swap3A_543 = arith.constant 0 : index
    %swap3A_544 = arith.constant 0 : index
    %swap3A_545 = vector.load %arg4[%swap3A_541, %swap3A_542, %swap3A_543, %swap3A_544] : memref<1x8x1024x128xf32, #tpu.memory_space<vmem>>, vector<1x1x1024x96xf32>
    %swap3A_546 = vector.shape_cast %swap3A_545 : vector<1x1x1024x96xf32> to vector<1024x96xf32>
    %swap3A_547 = vector.shape_cast %get3A_472 : vector<1024x96xf32> to vector<1x1x1024x96xf32>
    tpu.vector_store %arg4[%swap3A_541, %swap3A_542, %swap3A_543, %swap3A_544], %swap3A_547 {strides = array<i32>} : memref<1x8x1024x128xf32, #tpu.memory_space<vmem>>, vector<1x1x1024x96xf32>,
    %get3A_548 = arith.constant 0 : index
    %get3A_549 = arith.constant 7 : index
    %get3A_550 = arith.constant 0 : index
    %get3A_551 = arith.constant 0 : index
    %get3A_552 = vector.load %arg1[%get3A_548, %get3A_549, %get3A_550, %get3A_551] : memref<1x8x1024x96xf32, #tpu.memory_space<vmem>>, vector<1x1x1024x96xf32>
    %get3A_553 = vector.shape_cast %get3A_552 : vector<1x1x1024x96xf32> to vector<1024x96xf32>
    %get3A_554 = arith.constant 0 : index
    %get3A_555 = arith.constant 0 : index
    %get3A_556 = vector.load %arg2[%get3A_554, %get3A_555] : memref<1x96xf32, #tpu.memory_space<vmem>>, vector<1x96xf32>
    %convert_element_type3A_557 = arith.truncf %get3A_553 : vector<1024x96xf32> to vector<1024x96xbf16>
    %convert_element_type3A_558 = arith.extf %convert_element_type3A_557 : vector<1024x96xbf16> to vector<1024x96xf32>
    %convert_element_type3A_559 = arith.truncf %get3A_556 : vector<1x96xf32> to vector<1x96xbf16>
    %convert_element_type3A_560 = arith.extf %convert_element_type3A_559 : vector<1x96xbf16> to vector<1x96xf32>
    %dot_general3A_561 = arith.constant dense<0.000000e+00> : vector<1x1024xf32>
    %dot_general3A_562 = tpu.matmul %convert_element_type3A_560, %convert_element_type3A_558, %dot_general3A_561 {dimension_numbers = #tpu.dot_dimension_numbers<[1], [1], [0], [0], [0, 0, 1, 0], [], []>, transpose_lhs_hint = false} : vector<1x96xf32>, vector<1024x96xf32>, vector<1x1024xf32> -> vector<1x1024xf32>
    %reduce_max3A_563 = arith.constant dense<0xFF800000> : vector<1xf32>
    %reduce_max3A_564 = vector.multi_reduction <maximumf>, %dot_general3A_562, %reduce_max3A_563 [1] : vector<1x1024xf32> to vector<1xf32>
    %broadcast_in_dim3A_565 = vector.shape_cast %reduce_max3A_564 : vector<1xf32> to vector<1x1xf32>
    %sub3A_566 = vector.broadcast %broadcast_in_dim3A_565 : vector<1x1xf32> to vector<1x1024xf32>
    %sub3A_567 = arith.subf %dot_general3A_562, %sub3A_566 : vector<1x1024xf32>
    %exp3A_568 = math.exp %sub3A_567 : vector<1x1024xf32>
    %reduce_sum3A_569 = arith.constant dense<0.000000e+00> : vector<1xf32>
    %reduce_sum3A_570 = vector.multi_reduction <add>, %exp3A_568, %reduce_sum3A_569 [1] : vector<1x1024xf32> to vector<1xf32>
    %broadcast_in_dim3A_571 = vector.shape_cast %reduce_sum3A_570 : vector<1xf32> to vector<1x1xf32>
    %div3A_572 = vector.broadcast %broadcast_in_dim3A_571 : vector<1x1xf32> to vector<1x1024xf32>
    %div3A_573 = arith.divf %exp3A_568, %div3A_572 : vector<1x1024xf32>
    %iota3A_574 = tpu.iota {dimensions = array<i32: 0>} : vector<1024x1xi32>
    %iota3A_575 = tpu.iota {dimensions = array<i32: 1>} : vector<1x1024xi32>
    %transpose3A_576 = tpu.transpose %div3A_573, [1, 0] : vector<1x1024xf32> -> vector<1024x1xf32>
    %gt3A_577 = vector.broadcast %transpose3A_576 : vector<1024x1xf32> to vector<1024x1024xf32>
    %gt3A_578 = vector.broadcast %div3A_573 : vector<1x1024xf32> to vector<1024x1024xf32>
    %gt3A_579 = arith.cmpf ogt, %gt3A_577, %gt3A_578 : vector<1024x1024xf32>
    %eq3A_580 = vector.broadcast %transpose3A_576 : vector<1024x1xf32> to vector<1024x1024xf32>
    %eq3A_581 = vector.broadcast %div3A_573 : vector<1x1024xf32> to vector<1024x1024xf32>
    %eq3A_582 = arith.cmpf oeq, %eq3A_580, %eq3A_581 : vector<1024x1024xf32>
    %lt3A_583 = vector.broadcast %iota3A_574 : vector<1024x1xi32> to vector<1024x1024xi32>
    %lt3A_584 = vector.broadcast %iota3A_575 : vector<1x1024xi32> to vector<1024x1024xi32>
    %lt3A_585 = arith.cmpi slt, %lt3A_583, %lt3A_584 : vector<1024x1024xi32>
    %and3A_586 = arith.andi %eq3A_582, %lt3A_585 : vector<1024x1024xi1>
    %or3A_587 = arith.ori %gt3A_579, %and3A_586 : vector<1024x1024xi1>
    %convert_element_type3A_588 = arith.extui %or3A_587 : vector<1024x1024xi1> to vector<1024x1024xi32>
    %convert_element_type3A_589 = arith.sitofp %convert_element_type3A_588 : vector<1024x1024xi32> to vector<1024x1024xf32>
    %reduce_sum3A_590 = arith.constant dense<0.000000e+00> : vector<1024xf32>
    %reduce_sum3A_591 = vector.multi_reduction <add>, %convert_element_type3A_589, %reduce_sum3A_590 [0] : vector<1024x1024xf32> to vector<1024xf32>
    %broadcast_in_dim3A_592 = vector.shape_cast %reduce_sum3A_591 : vector<1024xf32> to vector<1x1024xf32>
    %iota3A_593 = tpu.iota {dimensions = array<i32: 0>} : vector<512x1xi32>
    %convert_element_type3A_594 = arith.sitofp %iota3A_593 : vector<512x1xi32> to vector<512x1xf32>
    %eq3A_595 = vector.broadcast %broadcast_in_dim3A_592 : vector<1x1024xf32> to vector<512x1024xf32>
    %eq3A_596 = vector.broadcast %convert_element_type3A_594 : vector<512x1xf32> to vector<512x1024xf32>
    %eq3A_597 = arith.cmpf oeq, %eq3A_595, %eq3A_596 : vector<512x1024xf32>
    %convert_element_type3A_598 = arith.extui %eq3A_597 : vector<512x1024xi1> to vector<512x1024xi32>
    %convert_element_type3A_599 = arith.sitofp %convert_element_type3A_598 : vector<512x1024xi32> to vector<512x1024xf32>
    %convert_element_type3A_600 = arith.sitofp %iota3A_575 : vector<1x1024xi32> to vector<1x1024xf32>
    %mul3A_601 = vector.broadcast %convert_element_type3A_600 : vector<1x1024xf32> to vector<512x1024xf32>
    %mul3A_602 = arith.mulf %convert_element_type3A_599, %mul3A_601 : vector<512x1024xf32>
    %reduce_sum3A_603 = arith.constant dense<0.000000e+00> : vector<512xf32>
    %reduce_sum3A_604 = vector.multi_reduction <add>, %mul3A_602, %reduce_sum3A_603 [1] : vector<512x1024xf32> to vector<512xf32>
    %broadcast_in_dim3A_605 = vector.shape_cast %reduce_sum3A_604 : vector<512xf32> to vector<512x1xf32>
    %mul3A_606 = arith.constant 8 : i32
    %mul3A_607 = arith.muli %arg0, %mul3A_606 : i32
    %add3A_608 = arith.constant 7 : i32
    %add3A_609 = arith.addi %mul3A_607, %add3A_608 : i32
    %mul3A_610 = arith.constant 1024 : i32
    %mul3A_611 = arith.muli %add3A_609, %mul3A_610 : i32
    %convert_element_type3A_612 = arith.fptosi %broadcast_in_dim3A_605 : vector<512x1xf32> to vector<512x1xi32>
    %add3A_613 = vector.broadcast %mul3A_611 : i32 to vector<512x1xi32>
    %add3A_614 = arith.addi %convert_element_type3A_612, %add3A_613 : vector<512x1xi32>
    %swap3A_615 = arith.constant 0 : index
    %swap3A_616 = arith.constant 7 : index
    %swap3A_617 = arith.constant 0 : index
    %swap3A_618 = arith.constant 0 : index
    %swap3A_619 = vector.load %arg3[%swap3A_615, %swap3A_616, %swap3A_617, %swap3A_618] : memref<1x8x512x1xi32, #tpu.memory_space<vmem>>, vector<1x1x512x1xi32>
    %swap3A_620 = vector.shape_cast %swap3A_619 : vector<1x1x512x1xi32> to vector<512x1xi32>
    %swap3A_621 = vector.shape_cast %add3A_614 : vector<512x1xi32> to vector<1x1x512x1xi32>
    tpu.vector_store %arg3[%swap3A_615, %swap3A_616, %swap3A_617, %swap3A_618], %swap3A_621 {strides = array<i32>} : memref<1x8x512x1xi32, #tpu.memory_space<vmem>>, vector<1x1x512x1xi32>,
    %swap3A_622 = arith.constant 0 : index
    %swap3A_623 = arith.constant 7 : index
    %swap3A_624 = arith.constant 0 : index
    %swap3A_625 = arith.constant 0 : index
    %swap3A_626 = vector.load %arg4[%swap3A_622, %swap3A_623, %swap3A_624, %swap3A_625] : memref<1x8x1024x128xf32, #tpu.memory_space<vmem>>, vector<1x1x1024x96xf32>
    %swap3A_627 = vector.shape_cast %swap3A_626 : vector<1x1x1024x96xf32> to vector<1024x96xf32>
    %swap3A_628 = vector.shape_cast %get3A_553 : vector<1024x96xf32> to vector<1x1x1024x96xf32>
    tpu.vector_store %arg4[%swap3A_622, %swap3A_623, %swap3A_624, %swap3A_625], %swap3A_628 {strides = array<i32>} : memref<1x8x1024x128xf32, #tpu.memory_space<vmem>>, vector<1x1x1024x96xf32>,
    return
  }
  func.func @transform_0(%arg0: i32) -> (i32, i32, i32, i32) {
    %c0_i32 = arith.constant 0 : i32
    %c0_i32_0 = arith.constant 0 : i32
    %c0_i32_1 = arith.constant 0 : i32
    %c0_i32_2 = arith.constant 0 : i32
    return %arg0, %c0_i32, %c0_i32_0, %c0_i32_1 : i32, i32, i32, i32
  }
  func.func @transform_1(%arg0: i32) -> (i32, i32) {
    %c0_i32 = arith.constant 0 : i32
    %c0_i32_0 = arith.constant 0 : i32
    %c0_i32_1 = arith.constant 0 : i32
    return %c0_i32, %c0_i32_0 : i32, i32
  }
  func.func @transform_2(%arg0: i32) -> (i32, i32, i32, i32) {
    %c0_i32 = arith.constant 0 : i32
    %c0_i32_0 = arith.constant 0 : i32
    %c0_i32_1 = arith.constant 0 : i32
    %c0_i32_2 = arith.constant 0 : i32
    return %arg0, %c0_i32, %c0_i32_0, %c0_i32_1 : i32, i32, i32, i32
  }
  func.func @transform_3(%arg0: i32) -> (i32, i32, i32, i32) {
    %c0_i32 = arith.constant 0 : i32
    %c0_i32_0 = arith.constant 0 : i32
    %c0_i32_1 = arith.constant 0 : i32
    %c0_i32_2 = arith.constant 0 : i32
    return %arg0, %c0_i32, %c0_i32_0, %c0_i32_1 : i32, i32, i32, i32
  }
}

module attributes {stable_mosaic.version = 14 : i64} {
  func.func @_pairs_body(%arg0: i32, %arg1: memref<8x1x512x128xf32, #tpu.memory_space<vmem>>, %arg2: memref<7x1x1x96xf32, #tpu.memory_space<vmem>>) attributes {dimension_semantics = [#tpu.dimension_semantics<arbitrary>], iteration_bounds = array<i64: 8>, scalar_prefetch = 0 : i64, scratch_operands = 0 : i64, tpu.core_type = #tpu.core_type<tc>, window_params = [{transform_indices = @transform_0, window_bounds = array<i64: 8, 1, 512, 128>}, {transform_indices = @transform_1, window_bounds = array<i64: 7, 1, 1, 96>}]} {
    %get3A = arith.constant 0 : index
    %get3A_0 = arith.constant 0 : index
    %get3A_1 = arith.constant 0 : index
    %get3A_2 = arith.constant 0 : index
    %get3A_3 = vector.load %arg1[%get3A, %get3A_0, %get3A_1, %get3A_2] : memref<8x1x512x128xf32, #tpu.memory_space<vmem>>, vector<1x1x512x128xf32>
    %get3A_4 = vector.shape_cast %get3A_3 : vector<1x1x512x128xf32> to vector<512x128xf32>
    %slice3A = vector.extract_strided_slice %get3A_4 {offsets = [0, 0], sizes = [512, 96], strides = [1, 1]} : vector<512x128xf32> to vector<512x96xf32>
    %get3A_5 = arith.constant 1 : index
    %get3A_6 = arith.constant 0 : index
    %get3A_7 = arith.constant 0 : index
    %get3A_8 = arith.constant 0 : index
    %get3A_9 = vector.load %arg1[%get3A_5, %get3A_6, %get3A_7, %get3A_8] : memref<8x1x512x128xf32, #tpu.memory_space<vmem>>, vector<1x1x512x128xf32>
    %get3A_10 = vector.shape_cast %get3A_9 : vector<1x1x512x128xf32> to vector<512x128xf32>
    %slice3A_11 = vector.extract_strided_slice %get3A_10 {offsets = [0, 0], sizes = [512, 96], strides = [1, 1]} : vector<512x128xf32> to vector<512x96xf32>
    %mul3A = arith.mulf %slice3A, %slice3A : vector<512x96xf32>
    %reduce_sum3A = arith.constant dense<0.000000e+00> : vector<512xf32>
    %reduce_sum3A_12 = vector.multi_reduction <add>, %mul3A, %reduce_sum3A [1] : vector<512x96xf32> to vector<512xf32>
    %broadcast_in_dim3A = vector.shape_cast %reduce_sum3A_12 : vector<512xf32> to vector<512x1xf32>
    %sqrt3A = math.sqrt %broadcast_in_dim3A : vector<512x1xf32>
    %max3A = arith.constant 9.99999993E-9 : f32
    %max3A_13 = vector.broadcast %max3A : f32 to vector<512x1xf32>
    %max3A_14 = arith.maximumf %sqrt3A, %max3A_13 : vector<512x1xf32>
    %div3A = vector.broadcast %max3A_14 : vector<512x1xf32> to vector<512x96xf32>
    %div3A_15 = arith.divf %slice3A, %div3A : vector<512x96xf32>
    %mul3A_16 = arith.mulf %slice3A_11, %slice3A_11 : vector<512x96xf32>
    %reduce_sum3A_17 = arith.constant dense<0.000000e+00> : vector<512xf32>
    %reduce_sum3A_18 = vector.multi_reduction <add>, %mul3A_16, %reduce_sum3A_17 [1] : vector<512x96xf32> to vector<512xf32>
    %broadcast_in_dim3A_19 = vector.shape_cast %reduce_sum3A_18 : vector<512xf32> to vector<512x1xf32>
    %sqrt3A_20 = math.sqrt %broadcast_in_dim3A_19 : vector<512x1xf32>
    %max3A_21 = arith.constant 9.99999993E-9 : f32
    %max3A_22 = vector.broadcast %max3A_21 : f32 to vector<512x1xf32>
    %max3A_23 = arith.maximumf %sqrt3A_20, %max3A_22 : vector<512x1xf32>
    %div3A_24 = vector.broadcast %max3A_23 : vector<512x1xf32> to vector<512x96xf32>
    %div3A_25 = arith.divf %slice3A_11, %div3A_24 : vector<512x96xf32>
    %dot_general3A = arith.constant dense<0.000000e+00> : vector<512x512xf32>
    %dot_general3A_26 = tpu.matmul %div3A_15, %div3A_25, %dot_general3A {dimension_numbers = #tpu.dot_dimension_numbers<[1], [1], [0], [0], [0, 0, 1, 0], [], []>, transpose_lhs_hint = false} : vector<512x96xf32>, vector<512x96xf32>, vector<512x512xf32> -> vector<512x512xf32>
    %reduce_max3A = arith.constant dense<0xFF800000> : vector<512xf32>
    %reduce_max3A_27 = vector.multi_reduction <maximumf>, %dot_general3A_26, %reduce_max3A [1] : vector<512x512xf32> to vector<512xf32>
    %broadcast_in_dim3A_28 = vector.shape_cast %reduce_max3A_27 : vector<512xf32> to vector<512x1xf32>
    %iota3A = tpu.iota {dimensions = array<i32: 1>} : vector<512x512xi32>
    %eq3A = vector.broadcast %broadcast_in_dim3A_28 : vector<512x1xf32> to vector<512x512xf32>
    %eq3A_29 = arith.cmpf oeq, %dot_general3A_26, %eq3A : vector<512x512xf32>
    %jit3A = arith.constant 512 : i32
    %broadcast_in_dim3A_30 = vector.broadcast %jit3A : i32 to vector<512x512xi32>
    %select_n3A = arith.select %eq3A_29, %iota3A, %broadcast_in_dim3A_30 : vector<512x512xi1>, vector<512x512xi32>
    %reduce_min3A = arith.constant dense<2147483647> : vector<512xi32>
    %reduce_min3A_31 = vector.multi_reduction <minsi>, %select_n3A, %reduce_min3A [1] : vector<512x512xi32> to vector<512xi32>
    %broadcast_in_dim3A_32 = vector.shape_cast %reduce_min3A_31 : vector<512xi32> to vector<512x1xi32>
    %iota3A_33 = tpu.iota {dimensions = array<i32: 1>} : vector<512x512xi32>
    %eq3A_34 = vector.broadcast %broadcast_in_dim3A_32 : vector<512x1xi32> to vector<512x512xi32>
    %eq3A_35 = arith.cmpi eq, %eq3A_34, %iota3A_33 : vector<512x512xi32>
    %convert_element_type3A = arith.extui %eq3A_35 : vector<512x512xi1> to vector<512x512xi32>
    %convert_element_type3A_36 = arith.sitofp %convert_element_type3A : vector<512x512xi32> to vector<512x512xf32>
    %add3A = arith.addf %slice3A, %slice3A_11 : vector<512x96xf32>
    %mul3A_37 = arith.constant 5.000000e-01 : f32
    %mul3A_38 = vector.broadcast %mul3A_37 : f32 to vector<512x96xf32>
    %mul3A_39 = arith.mulf %add3A, %mul3A_38 : vector<512x96xf32>
    %convert_element_type3A_40 = arith.truncf %mul3A_39 : vector<512x96xf32> to vector<512x96xbf16>
    %convert_element_type3A_41 = arith.extf %convert_element_type3A_40 : vector<512x96xbf16> to vector<512x96xf32>
    %sub3A = arith.subf %mul3A_39, %convert_element_type3A_41 : vector<512x96xf32>
    %convert_element_type3A_42 = arith.truncf %sub3A : vector<512x96xf32> to vector<512x96xbf16>
    %convert_element_type3A_43 = arith.extf %convert_element_type3A_42 : vector<512x96xbf16> to vector<512x96xf32>
    %sub3A_44 = arith.subf %sub3A, %convert_element_type3A_43 : vector<512x96xf32>
    %dot_general3A_45 = arith.constant dense<0.000000e+00> : vector<512x96xf32>
    %dot_general3A_46 = tpu.matmul %convert_element_type3A_36, %convert_element_type3A_41, %dot_general3A_45 {dimension_numbers = #tpu.dot_dimension_numbers<[1], [0], [0], [1], [0, 0, 1, 1], [], []>, transpose_lhs_hint = false} : vector<512x512xf32>, vector<512x96xf32>, vector<512x96xf32> -> vector<512x96xf32>
    %dot_general3A_47 = arith.constant dense<0.000000e+00> : vector<512x96xf32>
    %dot_general3A_48 = tpu.matmul %convert_element_type3A_36, %convert_element_type3A_43, %dot_general3A_47 {dimension_numbers = #tpu.dot_dimension_numbers<[1], [0], [0], [1], [0, 0, 1, 1], [], []>, transpose_lhs_hint = false} : vector<512x512xf32>, vector<512x96xf32>, vector<512x96xf32> -> vector<512x96xf32>
    %add3A_49 = arith.addf %dot_general3A_46, %dot_general3A_48 : vector<512x96xf32>
    %dot_general3A_50 = arith.constant dense<0.000000e+00> : vector<512x96xf32>
    %dot_general3A_51 = tpu.matmul %convert_element_type3A_36, %sub3A_44, %dot_general3A_50 {dimension_numbers = #tpu.dot_dimension_numbers<[1], [0], [0], [1], [0, 0, 1, 1], [], []>, transpose_lhs_hint = false} : vector<512x512xf32>, vector<512x96xf32>, vector<512x96xf32> -> vector<512x96xf32>
    %add3A_52 = arith.addf %add3A_49, %dot_general3A_51 : vector<512x96xf32>
    %mul3A_53 = arith.mulf %add3A_52, %add3A_52 : vector<512x96xf32>
    %reduce_sum3A_54 = arith.constant dense<0.000000e+00> : vector<512xf32>
    %reduce_sum3A_55 = vector.multi_reduction <add>, %mul3A_53, %reduce_sum3A_54 [1] : vector<512x96xf32> to vector<512xf32>
    %broadcast_in_dim3A_56 = vector.shape_cast %reduce_sum3A_55 : vector<512xf32> to vector<512x1xf32>
    %sqrt3A_57 = math.sqrt %broadcast_in_dim3A_56 : vector<512x1xf32>
    %max3A_58 = arith.constant 9.99999993E-9 : f32
    %max3A_59 = vector.broadcast %max3A_58 : f32 to vector<512x1xf32>
    %max3A_60 = arith.maximumf %sqrt3A_57, %max3A_59 : vector<512x1xf32>
    %div3A_61 = vector.broadcast %max3A_60 : vector<512x1xf32> to vector<512x96xf32>
    %div3A_62 = arith.divf %add3A_52, %div3A_61 : vector<512x96xf32>
    %dot_general3A_63 = arith.constant dense<0.000000e+00> : vector<512x512xf32>
    %dot_general3A_64 = tpu.matmul %div3A_62, %div3A_62, %dot_general3A_63 {dimension_numbers = #tpu.dot_dimension_numbers<[1], [1], [0], [0], [0, 0, 1, 0], [], []>, transpose_lhs_hint = false} : vector<512x96xf32>, vector<512x96xf32>, vector<512x512xf32> -> vector<512x512xf32>
    %reduce_max3A_65 = arith.constant dense<0xFF800000> : vector<512xf32>
    %reduce_max3A_66 = vector.multi_reduction <maximumf>, %dot_general3A_64, %reduce_max3A_65 [1] : vector<512x512xf32> to vector<512xf32>
    %broadcast_in_dim3A_67 = vector.shape_cast %reduce_max3A_66 : vector<512xf32> to vector<512x1xf32>
    %iota3A_68 = tpu.iota {dimensions = array<i32: 1>} : vector<512x512xi32>
    %eq3A_69 = vector.broadcast %broadcast_in_dim3A_67 : vector<512x1xf32> to vector<512x512xf32>
    %eq3A_70 = arith.cmpf oeq, %dot_general3A_64, %eq3A_69 : vector<512x512xf32>
    %jit3A_71 = arith.constant 512 : i32
    %broadcast_in_dim3A_72 = vector.broadcast %jit3A_71 : i32 to vector<512x512xi32>
    %select_n3A_73 = arith.select %eq3A_70, %iota3A_68, %broadcast_in_dim3A_72 : vector<512x512xi1>, vector<512x512xi32>
    %reduce_min3A_74 = arith.constant dense<2147483647> : vector<512xi32>
    %reduce_min3A_75 = vector.multi_reduction <minsi>, %select_n3A_73, %reduce_min3A_74 [1] : vector<512x512xi32> to vector<512xi32>
    %broadcast_in_dim3A_76 = vector.shape_cast %reduce_min3A_75 : vector<512xi32> to vector<512x1xi32>
    %eq3A_77 = vector.broadcast %broadcast_in_dim3A_76 : vector<512x1xi32> to vector<512x512xi32>
    %eq3A_78 = arith.cmpi eq, %eq3A_77, %iota3A_33 : vector<512x512xi32>
    %convert_element_type3A_79 = arith.extui %eq3A_78 : vector<512x512xi1> to vector<512x512xi32>
    %convert_element_type3A_80 = arith.sitofp %convert_element_type3A_79 : vector<512x512xi32> to vector<512x512xf32>
    %reduce_sum3A_81 = arith.constant dense<0.000000e+00> : vector<512xf32>
    %reduce_sum3A_82 = vector.multi_reduction <add>, %convert_element_type3A_80, %reduce_sum3A_81 [0] : vector<512x512xf32> to vector<512xf32>
    %broadcast_in_dim3A_83 = vector.shape_cast %reduce_sum3A_82 : vector<512xf32> to vector<1x512xf32>
    %dot_general3A_84 = arith.constant dense<0.000000e+00> : vector<1x96xf32>
    %dot_general3A_85 = tpu.matmul %broadcast_in_dim3A_83, %add3A_52, %dot_general3A_84 {dimension_numbers = #tpu.dot_dimension_numbers<[1], [0], [0], [1], [0, 0, 1, 1], [], []>, precision = #tpu.contract_precision<fp32>, transpose_lhs_hint = false} : vector<1x512xf32>, vector<512x96xf32>, vector<1x96xf32> -> vector<1x96xf32>
    %mul3A_86 = arith.constant 0.001953125 : f32
    %mul3A_87 = vector.broadcast %mul3A_86 : f32 to vector<1x96xf32>
    %mul3A_88 = arith.mulf %dot_general3A_85, %mul3A_87 : vector<1x96xf32>
    %swap3A = arith.constant 0 : index
    %swap3A_89 = arith.constant 0 : index
    %swap3A_90 = arith.constant 0 : index
    %swap3A_91 = arith.constant 0 : index
    %swap3A_92 = vector.load %arg2[%swap3A, %swap3A_89, %swap3A_90, %swap3A_91] : memref<7x1x1x96xf32, #tpu.memory_space<vmem>>, vector<1x1x1x96xf32>
    %swap3A_93 = vector.shape_cast %swap3A_92 : vector<1x1x1x96xf32> to vector<1x96xf32>
    %swap3A_94 = vector.shape_cast %mul3A_88 : vector<1x96xf32> to vector<1x1x1x96xf32>
    tpu.vector_store %arg2[%swap3A, %swap3A_89, %swap3A_90, %swap3A_91], %swap3A_94 {strides = array<i32>} : memref<7x1x1x96xf32, #tpu.memory_space<vmem>>, vector<1x1x1x96xf32>,
    %get3A_95 = arith.constant 1 : index
    %get3A_96 = arith.constant 0 : index
    %get3A_97 = arith.constant 0 : index
    %get3A_98 = arith.constant 0 : index
    %get3A_99 = vector.load %arg1[%get3A_95, %get3A_96, %get3A_97, %get3A_98] : memref<8x1x512x128xf32, #tpu.memory_space<vmem>>, vector<1x1x512x128xf32>
    %get3A_100 = vector.shape_cast %get3A_99 : vector<1x1x512x128xf32> to vector<512x128xf32>
    %slice3A_101 = vector.extract_strided_slice %get3A_100 {offsets = [0, 0], sizes = [512, 96], strides = [1, 1]} : vector<512x128xf32> to vector<512x96xf32>
    %get3A_102 = arith.constant 2 : index
    %get3A_103 = arith.constant 0 : index
    %get3A_104 = arith.constant 0 : index
    %get3A_105 = arith.constant 0 : index
    %get3A_106 = vector.load %arg1[%get3A_102, %get3A_103, %get3A_104, %get3A_105] : memref<8x1x512x128xf32, #tpu.memory_space<vmem>>, vector<1x1x512x128xf32>
    %get3A_107 = vector.shape_cast %get3A_106 : vector<1x1x512x128xf32> to vector<512x128xf32>
    %slice3A_108 = vector.extract_strided_slice %get3A_107 {offsets = [0, 0], sizes = [512, 96], strides = [1, 1]} : vector<512x128xf32> to vector<512x96xf32>
    %mul3A_109 = arith.mulf %slice3A_101, %slice3A_101 : vector<512x96xf32>
    %reduce_sum3A_110 = arith.constant dense<0.000000e+00> : vector<512xf32>
    %reduce_sum3A_111 = vector.multi_reduction <add>, %mul3A_109, %reduce_sum3A_110 [1] : vector<512x96xf32> to vector<512xf32>
    %broadcast_in_dim3A_112 = vector.shape_cast %reduce_sum3A_111 : vector<512xf32> to vector<512x1xf32>
    %sqrt3A_113 = math.sqrt %broadcast_in_dim3A_112 : vector<512x1xf32>
    %max3A_114 = arith.constant 9.99999993E-9 : f32
    %max3A_115 = vector.broadcast %max3A_114 : f32 to vector<512x1xf32>
    %max3A_116 = arith.maximumf %sqrt3A_113, %max3A_115 : vector<512x1xf32>
    %div3A_117 = vector.broadcast %max3A_116 : vector<512x1xf32> to vector<512x96xf32>
    %div3A_118 = arith.divf %slice3A_101, %div3A_117 : vector<512x96xf32>
    %mul3A_119 = arith.mulf %slice3A_108, %slice3A_108 : vector<512x96xf32>
    %reduce_sum3A_120 = arith.constant dense<0.000000e+00> : vector<512xf32>
    %reduce_sum3A_121 = vector.multi_reduction <add>, %mul3A_119, %reduce_sum3A_120 [1] : vector<512x96xf32> to vector<512xf32>
    %broadcast_in_dim3A_122 = vector.shape_cast %reduce_sum3A_121 : vector<512xf32> to vector<512x1xf32>
    %sqrt3A_123 = math.sqrt %broadcast_in_dim3A_122 : vector<512x1xf32>
    %max3A_124 = arith.constant 9.99999993E-9 : f32
    %max3A_125 = vector.broadcast %max3A_124 : f32 to vector<512x1xf32>
    %max3A_126 = arith.maximumf %sqrt3A_123, %max3A_125 : vector<512x1xf32>
    %div3A_127 = vector.broadcast %max3A_126 : vector<512x1xf32> to vector<512x96xf32>
    %div3A_128 = arith.divf %slice3A_108, %div3A_127 : vector<512x96xf32>
    %dot_general3A_129 = arith.constant dense<0.000000e+00> : vector<512x512xf32>
    %dot_general3A_130 = tpu.matmul %div3A_118, %div3A_128, %dot_general3A_129 {dimension_numbers = #tpu.dot_dimension_numbers<[1], [1], [0], [0], [0, 0, 1, 0], [], []>, transpose_lhs_hint = false} : vector<512x96xf32>, vector<512x96xf32>, vector<512x512xf32> -> vector<512x512xf32>
    %reduce_max3A_131 = arith.constant dense<0xFF800000> : vector<512xf32>
    %reduce_max3A_132 = vector.multi_reduction <maximumf>, %dot_general3A_130, %reduce_max3A_131 [1] : vector<512x512xf32> to vector<512xf32>
    %broadcast_in_dim3A_133 = vector.shape_cast %reduce_max3A_132 : vector<512xf32> to vector<512x1xf32>
    %iota3A_134 = tpu.iota {dimensions = array<i32: 1>} : vector<512x512xi32>
    %eq3A_135 = vector.broadcast %broadcast_in_dim3A_133 : vector<512x1xf32> to vector<512x512xf32>
    %eq3A_136 = arith.cmpf oeq, %dot_general3A_130, %eq3A_135 : vector<512x512xf32>
    %jit3A_137 = arith.constant 512 : i32
    %broadcast_in_dim3A_138 = vector.broadcast %jit3A_137 : i32 to vector<512x512xi32>
    %select_n3A_139 = arith.select %eq3A_136, %iota3A_134, %broadcast_in_dim3A_138 : vector<512x512xi1>, vector<512x512xi32>
    %reduce_min3A_140 = arith.constant dense<2147483647> : vector<512xi32>
    %reduce_min3A_141 = vector.multi_reduction <minsi>, %select_n3A_139, %reduce_min3A_140 [1] : vector<512x512xi32> to vector<512xi32>
    %broadcast_in_dim3A_142 = vector.shape_cast %reduce_min3A_141 : vector<512xi32> to vector<512x1xi32>
    %iota3A_143 = tpu.iota {dimensions = array<i32: 1>} : vector<512x512xi32>
    %eq3A_144 = vector.broadcast %broadcast_in_dim3A_142 : vector<512x1xi32> to vector<512x512xi32>
    %eq3A_145 = arith.cmpi eq, %eq3A_144, %iota3A_143 : vector<512x512xi32>
    %convert_element_type3A_146 = arith.extui %eq3A_145 : vector<512x512xi1> to vector<512x512xi32>
    %convert_element_type3A_147 = arith.sitofp %convert_element_type3A_146 : vector<512x512xi32> to vector<512x512xf32>
    %add3A_148 = arith.addf %slice3A_101, %slice3A_108 : vector<512x96xf32>
    %mul3A_149 = arith.constant 5.000000e-01 : f32
    %mul3A_150 = vector.broadcast %mul3A_149 : f32 to vector<512x96xf32>
    %mul3A_151 = arith.mulf %add3A_148, %mul3A_150 : vector<512x96xf32>
    %convert_element_type3A_152 = arith.truncf %mul3A_151 : vector<512x96xf32> to vector<512x96xbf16>
    %convert_element_type3A_153 = arith.extf %convert_element_type3A_152 : vector<512x96xbf16> to vector<512x96xf32>
    %sub3A_154 = arith.subf %mul3A_151, %convert_element_type3A_153 : vector<512x96xf32>
    %convert_element_type3A_155 = arith.truncf %sub3A_154 : vector<512x96xf32> to vector<512x96xbf16>
    %convert_element_type3A_156 = arith.extf %convert_element_type3A_155 : vector<512x96xbf16> to vector<512x96xf32>
    %sub3A_157 = arith.subf %sub3A_154, %convert_element_type3A_156 : vector<512x96xf32>
    %dot_general3A_158 = arith.constant dense<0.000000e+00> : vector<512x96xf32>
    %dot_general3A_159 = tpu.matmul %convert_element_type3A_147, %convert_element_type3A_153, %dot_general3A_158 {dimension_numbers = #tpu.dot_dimension_numbers<[1], [0], [0], [1], [0, 0, 1, 1], [], []>, transpose_lhs_hint = false} : vector<512x512xf32>, vector<512x96xf32>, vector<512x96xf32> -> vector<512x96xf32>
    %dot_general3A_160 = arith.constant dense<0.000000e+00> : vector<512x96xf32>
    %dot_general3A_161 = tpu.matmul %convert_element_type3A_147, %convert_element_type3A_156, %dot_general3A_160 {dimension_numbers = #tpu.dot_dimension_numbers<[1], [0], [0], [1], [0, 0, 1, 1], [], []>, transpose_lhs_hint = false} : vector<512x512xf32>, vector<512x96xf32>, vector<512x96xf32> -> vector<512x96xf32>
    %add3A_162 = arith.addf %dot_general3A_159, %dot_general3A_161 : vector<512x96xf32>
    %dot_general3A_163 = arith.constant dense<0.000000e+00> : vector<512x96xf32>
    %dot_general3A_164 = tpu.matmul %convert_element_type3A_147, %sub3A_157, %dot_general3A_163 {dimension_numbers = #tpu.dot_dimension_numbers<[1], [0], [0], [1], [0, 0, 1, 1], [], []>, transpose_lhs_hint = false} : vector<512x512xf32>, vector<512x96xf32>, vector<512x96xf32> -> vector<512x96xf32>
    %add3A_165 = arith.addf %add3A_162, %dot_general3A_164 : vector<512x96xf32>
    %mul3A_166 = arith.mulf %add3A_165, %add3A_165 : vector<512x96xf32>
    %reduce_sum3A_167 = arith.constant dense<0.000000e+00> : vector<512xf32>
    %reduce_sum3A_168 = vector.multi_reduction <add>, %mul3A_166, %reduce_sum3A_167 [1] : vector<512x96xf32> to vector<512xf32>
    %broadcast_in_dim3A_169 = vector.shape_cast %reduce_sum3A_168 : vector<512xf32> to vector<512x1xf32>
    %sqrt3A_170 = math.sqrt %broadcast_in_dim3A_169 : vector<512x1xf32>
    %max3A_171 = arith.constant 9.99999993E-9 : f32
    %max3A_172 = vector.broadcast %max3A_171 : f32 to vector<512x1xf32>
    %max3A_173 = arith.maximumf %sqrt3A_170, %max3A_172 : vector<512x1xf32>
    %div3A_174 = vector.broadcast %max3A_173 : vector<512x1xf32> to vector<512x96xf32>
    %div3A_175 = arith.divf %add3A_165, %div3A_174 : vector<512x96xf32>
    %dot_general3A_176 = arith.constant dense<0.000000e+00> : vector<512x512xf32>
    %dot_general3A_177 = tpu.matmul %div3A_175, %div3A_175, %dot_general3A_176 {dimension_numbers = #tpu.dot_dimension_numbers<[1], [1], [0], [0], [0, 0, 1, 0], [], []>, transpose_lhs_hint = false} : vector<512x96xf32>, vector<512x96xf32>, vector<512x512xf32> -> vector<512x512xf32>
    %reduce_max3A_178 = arith.constant dense<0xFF800000> : vector<512xf32>
    %reduce_max3A_179 = vector.multi_reduction <maximumf>, %dot_general3A_177, %reduce_max3A_178 [1] : vector<512x512xf32> to vector<512xf32>
    %broadcast_in_dim3A_180 = vector.shape_cast %reduce_max3A_179 : vector<512xf32> to vector<512x1xf32>
    %iota3A_181 = tpu.iota {dimensions = array<i32: 1>} : vector<512x512xi32>
    %eq3A_182 = vector.broadcast %broadcast_in_dim3A_180 : vector<512x1xf32> to vector<512x512xf32>
    %eq3A_183 = arith.cmpf oeq, %dot_general3A_177, %eq3A_182 : vector<512x512xf32>
    %jit3A_184 = arith.constant 512 : i32
    %broadcast_in_dim3A_185 = vector.broadcast %jit3A_184 : i32 to vector<512x512xi32>
    %select_n3A_186 = arith.select %eq3A_183, %iota3A_181, %broadcast_in_dim3A_185 : vector<512x512xi1>, vector<512x512xi32>
    %reduce_min3A_187 = arith.constant dense<2147483647> : vector<512xi32>
    %reduce_min3A_188 = vector.multi_reduction <minsi>, %select_n3A_186, %reduce_min3A_187 [1] : vector<512x512xi32> to vector<512xi32>
    %broadcast_in_dim3A_189 = vector.shape_cast %reduce_min3A_188 : vector<512xi32> to vector<512x1xi32>
    %eq3A_190 = vector.broadcast %broadcast_in_dim3A_189 : vector<512x1xi32> to vector<512x512xi32>
    %eq3A_191 = arith.cmpi eq, %eq3A_190, %iota3A_143 : vector<512x512xi32>
    %convert_element_type3A_192 = arith.extui %eq3A_191 : vector<512x512xi1> to vector<512x512xi32>
    %convert_element_type3A_193 = arith.sitofp %convert_element_type3A_192 : vector<512x512xi32> to vector<512x512xf32>
    %reduce_sum3A_194 = arith.constant dense<0.000000e+00> : vector<512xf32>
    %reduce_sum3A_195 = vector.multi_reduction <add>, %convert_element_type3A_193, %reduce_sum3A_194 [0] : vector<512x512xf32> to vector<512xf32>
    %broadcast_in_dim3A_196 = vector.shape_cast %reduce_sum3A_195 : vector<512xf32> to vector<1x512xf32>
    %dot_general3A_197 = arith.constant dense<0.000000e+00> : vector<1x96xf32>
    %dot_general3A_198 = tpu.matmul %broadcast_in_dim3A_196, %add3A_165, %dot_general3A_197 {dimension_numbers = #tpu.dot_dimension_numbers<[1], [0], [0], [1], [0, 0, 1, 1], [], []>, precision = #tpu.contract_precision<fp32>, transpose_lhs_hint = false} : vector<1x512xf32>, vector<512x96xf32>, vector<1x96xf32> -> vector<1x96xf32>
    %mul3A_199 = arith.constant 0.001953125 : f32
    %mul3A_200 = vector.broadcast %mul3A_199 : f32 to vector<1x96xf32>
    %mul3A_201 = arith.mulf %dot_general3A_198, %mul3A_200 : vector<1x96xf32>
    %swap3A_202 = arith.constant 1 : index
    %swap3A_203 = arith.constant 0 : index
    %swap3A_204 = arith.constant 0 : index
    %swap3A_205 = arith.constant 0 : index
    %swap3A_206 = vector.load %arg2[%swap3A_202, %swap3A_203, %swap3A_204, %swap3A_205] : memref<7x1x1x96xf32, #tpu.memory_space<vmem>>, vector<1x1x1x96xf32>
    %swap3A_207 = vector.shape_cast %swap3A_206 : vector<1x1x1x96xf32> to vector<1x96xf32>
    %swap3A_208 = vector.shape_cast %mul3A_201 : vector<1x96xf32> to vector<1x1x1x96xf32>
    tpu.vector_store %arg2[%swap3A_202, %swap3A_203, %swap3A_204, %swap3A_205], %swap3A_208 {strides = array<i32>} : memref<7x1x1x96xf32, #tpu.memory_space<vmem>>, vector<1x1x1x96xf32>,
    %get3A_209 = arith.constant 2 : index
    %get3A_210 = arith.constant 0 : index
    %get3A_211 = arith.constant 0 : index
    %get3A_212 = arith.constant 0 : index
    %get3A_213 = vector.load %arg1[%get3A_209, %get3A_210, %get3A_211, %get3A_212] : memref<8x1x512x128xf32, #tpu.memory_space<vmem>>, vector<1x1x512x128xf32>
    %get3A_214 = vector.shape_cast %get3A_213 : vector<1x1x512x128xf32> to vector<512x128xf32>
    %slice3A_215 = vector.extract_strided_slice %get3A_214 {offsets = [0, 0], sizes = [512, 96], strides = [1, 1]} : vector<512x128xf32> to vector<512x96xf32>
    %get3A_216 = arith.constant 3 : index
    %get3A_217 = arith.constant 0 : index
    %get3A_218 = arith.constant 0 : index
    %get3A_219 = arith.constant 0 : index
    %get3A_220 = vector.load %arg1[%get3A_216, %get3A_217, %get3A_218, %get3A_219] : memref<8x1x512x128xf32, #tpu.memory_space<vmem>>, vector<1x1x512x128xf32>
    %get3A_221 = vector.shape_cast %get3A_220 : vector<1x1x512x128xf32> to vector<512x128xf32>
    %slice3A_222 = vector.extract_strided_slice %get3A_221 {offsets = [0, 0], sizes = [512, 96], strides = [1, 1]} : vector<512x128xf32> to vector<512x96xf32>
    %mul3A_223 = arith.mulf %slice3A_215, %slice3A_215 : vector<512x96xf32>
    %reduce_sum3A_224 = arith.constant dense<0.000000e+00> : vector<512xf32>
    %reduce_sum3A_225 = vector.multi_reduction <add>, %mul3A_223, %reduce_sum3A_224 [1] : vector<512x96xf32> to vector<512xf32>
    %broadcast_in_dim3A_226 = vector.shape_cast %reduce_sum3A_225 : vector<512xf32> to vector<512x1xf32>
    %sqrt3A_227 = math.sqrt %broadcast_in_dim3A_226 : vector<512x1xf32>
    %max3A_228 = arith.constant 9.99999993E-9 : f32
    %max3A_229 = vector.broadcast %max3A_228 : f32 to vector<512x1xf32>
    %max3A_230 = arith.maximumf %sqrt3A_227, %max3A_229 : vector<512x1xf32>
    %div3A_231 = vector.broadcast %max3A_230 : vector<512x1xf32> to vector<512x96xf32>
    %div3A_232 = arith.divf %slice3A_215, %div3A_231 : vector<512x96xf32>
    %mul3A_233 = arith.mulf %slice3A_222, %slice3A_222 : vector<512x96xf32>
    %reduce_sum3A_234 = arith.constant dense<0.000000e+00> : vector<512xf32>
    %reduce_sum3A_235 = vector.multi_reduction <add>, %mul3A_233, %reduce_sum3A_234 [1] : vector<512x96xf32> to vector<512xf32>
    %broadcast_in_dim3A_236 = vector.shape_cast %reduce_sum3A_235 : vector<512xf32> to vector<512x1xf32>
    %sqrt3A_237 = math.sqrt %broadcast_in_dim3A_236 : vector<512x1xf32>
    %max3A_238 = arith.constant 9.99999993E-9 : f32
    %max3A_239 = vector.broadcast %max3A_238 : f32 to vector<512x1xf32>
    %max3A_240 = arith.maximumf %sqrt3A_237, %max3A_239 : vector<512x1xf32>
    %div3A_241 = vector.broadcast %max3A_240 : vector<512x1xf32> to vector<512x96xf32>
    %div3A_242 = arith.divf %slice3A_222, %div3A_241 : vector<512x96xf32>
    %dot_general3A_243 = arith.constant dense<0.000000e+00> : vector<512x512xf32>
    %dot_general3A_244 = tpu.matmul %div3A_232, %div3A_242, %dot_general3A_243 {dimension_numbers = #tpu.dot_dimension_numbers<[1], [1], [0], [0], [0, 0, 1, 0], [], []>, transpose_lhs_hint = false} : vector<512x96xf32>, vector<512x96xf32>, vector<512x512xf32> -> vector<512x512xf32>
    %reduce_max3A_245 = arith.constant dense<0xFF800000> : vector<512xf32>
    %reduce_max3A_246 = vector.multi_reduction <maximumf>, %dot_general3A_244, %reduce_max3A_245 [1] : vector<512x512xf32> to vector<512xf32>
    %broadcast_in_dim3A_247 = vector.shape_cast %reduce_max3A_246 : vector<512xf32> to vector<512x1xf32>
    %iota3A_248 = tpu.iota {dimensions = array<i32: 1>} : vector<512x512xi32>
    %eq3A_249 = vector.broadcast %broadcast_in_dim3A_247 : vector<512x1xf32> to vector<512x512xf32>
    %eq3A_250 = arith.cmpf oeq, %dot_general3A_244, %eq3A_249 : vector<512x512xf32>
    %jit3A_251 = arith.constant 512 : i32
    %broadcast_in_dim3A_252 = vector.broadcast %jit3A_251 : i32 to vector<512x512xi32>
    %select_n3A_253 = arith.select %eq3A_250, %iota3A_248, %broadcast_in_dim3A_252 : vector<512x512xi1>, vector<512x512xi32>
    %reduce_min3A_254 = arith.constant dense<2147483647> : vector<512xi32>
    %reduce_min3A_255 = vector.multi_reduction <minsi>, %select_n3A_253, %reduce_min3A_254 [1] : vector<512x512xi32> to vector<512xi32>
    %broadcast_in_dim3A_256 = vector.shape_cast %reduce_min3A_255 : vector<512xi32> to vector<512x1xi32>
    %iota3A_257 = tpu.iota {dimensions = array<i32: 1>} : vector<512x512xi32>
    %eq3A_258 = vector.broadcast %broadcast_in_dim3A_256 : vector<512x1xi32> to vector<512x512xi32>
    %eq3A_259 = arith.cmpi eq, %eq3A_258, %iota3A_257 : vector<512x512xi32>
    %convert_element_type3A_260 = arith.extui %eq3A_259 : vector<512x512xi1> to vector<512x512xi32>
    %convert_element_type3A_261 = arith.sitofp %convert_element_type3A_260 : vector<512x512xi32> to vector<512x512xf32>
    %add3A_262 = arith.addf %slice3A_215, %slice3A_222 : vector<512x96xf32>
    %mul3A_263 = arith.constant 5.000000e-01 : f32
    %mul3A_264 = vector.broadcast %mul3A_263 : f32 to vector<512x96xf32>
    %mul3A_265 = arith.mulf %add3A_262, %mul3A_264 : vector<512x96xf32>
    %convert_element_type3A_266 = arith.truncf %mul3A_265 : vector<512x96xf32> to vector<512x96xbf16>
    %convert_element_type3A_267 = arith.extf %convert_element_type3A_266 : vector<512x96xbf16> to vector<512x96xf32>
    %sub3A_268 = arith.subf %mul3A_265, %convert_element_type3A_267 : vector<512x96xf32>
    %convert_element_type3A_269 = arith.truncf %sub3A_268 : vector<512x96xf32> to vector<512x96xbf16>
    %convert_element_type3A_270 = arith.extf %convert_element_type3A_269 : vector<512x96xbf16> to vector<512x96xf32>
    %sub3A_271 = arith.subf %sub3A_268, %convert_element_type3A_270 : vector<512x96xf32>
    %dot_general3A_272 = arith.constant dense<0.000000e+00> : vector<512x96xf32>
    %dot_general3A_273 = tpu.matmul %convert_element_type3A_261, %convert_element_type3A_267, %dot_general3A_272 {dimension_numbers = #tpu.dot_dimension_numbers<[1], [0], [0], [1], [0, 0, 1, 1], [], []>, transpose_lhs_hint = false} : vector<512x512xf32>, vector<512x96xf32>, vector<512x96xf32> -> vector<512x96xf32>
    %dot_general3A_274 = arith.constant dense<0.000000e+00> : vector<512x96xf32>
    %dot_general3A_275 = tpu.matmul %convert_element_type3A_261, %convert_element_type3A_270, %dot_general3A_274 {dimension_numbers = #tpu.dot_dimension_numbers<[1], [0], [0], [1], [0, 0, 1, 1], [], []>, transpose_lhs_hint = false} : vector<512x512xf32>, vector<512x96xf32>, vector<512x96xf32> -> vector<512x96xf32>
    %add3A_276 = arith.addf %dot_general3A_273, %dot_general3A_275 : vector<512x96xf32>
    %dot_general3A_277 = arith.constant dense<0.000000e+00> : vector<512x96xf32>
    %dot_general3A_278 = tpu.matmul %convert_element_type3A_261, %sub3A_271, %dot_general3A_277 {dimension_numbers = #tpu.dot_dimension_numbers<[1], [0], [0], [1], [0, 0, 1, 1], [], []>, transpose_lhs_hint = false} : vector<512x512xf32>, vector<512x96xf32>, vector<512x96xf32> -> vector<512x96xf32>
    %add3A_279 = arith.addf %add3A_276, %dot_general3A_278 : vector<512x96xf32>
    %mul3A_280 = arith.mulf %add3A_279, %add3A_279 : vector<512x96xf32>
    %reduce_sum3A_281 = arith.constant dense<0.000000e+00> : vector<512xf32>
    %reduce_sum3A_282 = vector.multi_reduction <add>, %mul3A_280, %reduce_sum3A_281 [1] : vector<512x96xf32> to vector<512xf32>
    %broadcast_in_dim3A_283 = vector.shape_cast %reduce_sum3A_282 : vector<512xf32> to vector<512x1xf32>
    %sqrt3A_284 = math.sqrt %broadcast_in_dim3A_283 : vector<512x1xf32>
    %max3A_285 = arith.constant 9.99999993E-9 : f32
    %max3A_286 = vector.broadcast %max3A_285 : f32 to vector<512x1xf32>
    %max3A_287 = arith.maximumf %sqrt3A_284, %max3A_286 : vector<512x1xf32>
    %div3A_288 = vector.broadcast %max3A_287 : vector<512x1xf32> to vector<512x96xf32>
    %div3A_289 = arith.divf %add3A_279, %div3A_288 : vector<512x96xf32>
    %dot_general3A_290 = arith.constant dense<0.000000e+00> : vector<512x512xf32>
    %dot_general3A_291 = tpu.matmul %div3A_289, %div3A_289, %dot_general3A_290 {dimension_numbers = #tpu.dot_dimension_numbers<[1], [1], [0], [0], [0, 0, 1, 0], [], []>, transpose_lhs_hint = false} : vector<512x96xf32>, vector<512x96xf32>, vector<512x512xf32> -> vector<512x512xf32>
    %reduce_max3A_292 = arith.constant dense<0xFF800000> : vector<512xf32>
    %reduce_max3A_293 = vector.multi_reduction <maximumf>, %dot_general3A_291, %reduce_max3A_292 [1] : vector<512x512xf32> to vector<512xf32>
    %broadcast_in_dim3A_294 = vector.shape_cast %reduce_max3A_293 : vector<512xf32> to vector<512x1xf32>
    %iota3A_295 = tpu.iota {dimensions = array<i32: 1>} : vector<512x512xi32>
    %eq3A_296 = vector.broadcast %broadcast_in_dim3A_294 : vector<512x1xf32> to vector<512x512xf32>
    %eq3A_297 = arith.cmpf oeq, %dot_general3A_291, %eq3A_296 : vector<512x512xf32>
    %jit3A_298 = arith.constant 512 : i32
    %broadcast_in_dim3A_299 = vector.broadcast %jit3A_298 : i32 to vector<512x512xi32>
    %select_n3A_300 = arith.select %eq3A_297, %iota3A_295, %broadcast_in_dim3A_299 : vector<512x512xi1>, vector<512x512xi32>
    %reduce_min3A_301 = arith.constant dense<2147483647> : vector<512xi32>
    %reduce_min3A_302 = vector.multi_reduction <minsi>, %select_n3A_300, %reduce_min3A_301 [1] : vector<512x512xi32> to vector<512xi32>
    %broadcast_in_dim3A_303 = vector.shape_cast %reduce_min3A_302 : vector<512xi32> to vector<512x1xi32>
    %eq3A_304 = vector.broadcast %broadcast_in_dim3A_303 : vector<512x1xi32> to vector<512x512xi32>
    %eq3A_305 = arith.cmpi eq, %eq3A_304, %iota3A_257 : vector<512x512xi32>
    %convert_element_type3A_306 = arith.extui %eq3A_305 : vector<512x512xi1> to vector<512x512xi32>
    %convert_element_type3A_307 = arith.sitofp %convert_element_type3A_306 : vector<512x512xi32> to vector<512x512xf32>
    %reduce_sum3A_308 = arith.constant dense<0.000000e+00> : vector<512xf32>
    %reduce_sum3A_309 = vector.multi_reduction <add>, %convert_element_type3A_307, %reduce_sum3A_308 [0] : vector<512x512xf32> to vector<512xf32>
    %broadcast_in_dim3A_310 = vector.shape_cast %reduce_sum3A_309 : vector<512xf32> to vector<1x512xf32>
    %dot_general3A_311 = arith.constant dense<0.000000e+00> : vector<1x96xf32>
    %dot_general3A_312 = tpu.matmul %broadcast_in_dim3A_310, %add3A_279, %dot_general3A_311 {dimension_numbers = #tpu.dot_dimension_numbers<[1], [0], [0], [1], [0, 0, 1, 1], [], []>, precision = #tpu.contract_precision<fp32>, transpose_lhs_hint = false} : vector<1x512xf32>, vector<512x96xf32>, vector<1x96xf32> -> vector<1x96xf32>
    %mul3A_313 = arith.constant 0.001953125 : f32
    %mul3A_314 = vector.broadcast %mul3A_313 : f32 to vector<1x96xf32>
    %mul3A_315 = arith.mulf %dot_general3A_312, %mul3A_314 : vector<1x96xf32>
    %swap3A_316 = arith.constant 2 : index
    %swap3A_317 = arith.constant 0 : index
    %swap3A_318 = arith.constant 0 : index
    %swap3A_319 = arith.constant 0 : index
    %swap3A_320 = vector.load %arg2[%swap3A_316, %swap3A_317, %swap3A_318, %swap3A_319] : memref<7x1x1x96xf32, #tpu.memory_space<vmem>>, vector<1x1x1x96xf32>
    %swap3A_321 = vector.shape_cast %swap3A_320 : vector<1x1x1x96xf32> to vector<1x96xf32>
    %swap3A_322 = vector.shape_cast %mul3A_315 : vector<1x96xf32> to vector<1x1x1x96xf32>
    tpu.vector_store %arg2[%swap3A_316, %swap3A_317, %swap3A_318, %swap3A_319], %swap3A_322 {strides = array<i32>} : memref<7x1x1x96xf32, #tpu.memory_space<vmem>>, vector<1x1x1x96xf32>,
    %get3A_323 = arith.constant 3 : index
    %get3A_324 = arith.constant 0 : index
    %get3A_325 = arith.constant 0 : index
    %get3A_326 = arith.constant 0 : index
    %get3A_327 = vector.load %arg1[%get3A_323, %get3A_324, %get3A_325, %get3A_326] : memref<8x1x512x128xf32, #tpu.memory_space<vmem>>, vector<1x1x512x128xf32>
    %get3A_328 = vector.shape_cast %get3A_327 : vector<1x1x512x128xf32> to vector<512x128xf32>
    %slice3A_329 = vector.extract_strided_slice %get3A_328 {offsets = [0, 0], sizes = [512, 96], strides = [1, 1]} : vector<512x128xf32> to vector<512x96xf32>
    %get3A_330 = arith.constant 4 : index
    %get3A_331 = arith.constant 0 : index
    %get3A_332 = arith.constant 0 : index
    %get3A_333 = arith.constant 0 : index
    %get3A_334 = vector.load %arg1[%get3A_330, %get3A_331, %get3A_332, %get3A_333] : memref<8x1x512x128xf32, #tpu.memory_space<vmem>>, vector<1x1x512x128xf32>
    %get3A_335 = vector.shape_cast %get3A_334 : vector<1x1x512x128xf32> to vector<512x128xf32>
    %slice3A_336 = vector.extract_strided_slice %get3A_335 {offsets = [0, 0], sizes = [512, 96], strides = [1, 1]} : vector<512x128xf32> to vector<512x96xf32>
    %mul3A_337 = arith.mulf %slice3A_329, %slice3A_329 : vector<512x96xf32>
    %reduce_sum3A_338 = arith.constant dense<0.000000e+00> : vector<512xf32>
    %reduce_sum3A_339 = vector.multi_reduction <add>, %mul3A_337, %reduce_sum3A_338 [1] : vector<512x96xf32> to vector<512xf32>
    %broadcast_in_dim3A_340 = vector.shape_cast %reduce_sum3A_339 : vector<512xf32> to vector<512x1xf32>
    %sqrt3A_341 = math.sqrt %broadcast_in_dim3A_340 : vector<512x1xf32>
    %max3A_342 = arith.constant 9.99999993E-9 : f32
    %max3A_343 = vector.broadcast %max3A_342 : f32 to vector<512x1xf32>
    %max3A_344 = arith.maximumf %sqrt3A_341, %max3A_343 : vector<512x1xf32>
    %div3A_345 = vector.broadcast %max3A_344 : vector<512x1xf32> to vector<512x96xf32>
    %div3A_346 = arith.divf %slice3A_329, %div3A_345 : vector<512x96xf32>
    %mul3A_347 = arith.mulf %slice3A_336, %slice3A_336 : vector<512x96xf32>
    %reduce_sum3A_348 = arith.constant dense<0.000000e+00> : vector<512xf32>
    %reduce_sum3A_349 = vector.multi_reduction <add>, %mul3A_347, %reduce_sum3A_348 [1] : vector<512x96xf32> to vector<512xf32>
    %broadcast_in_dim3A_350 = vector.shape_cast %reduce_sum3A_349 : vector<512xf32> to vector<512x1xf32>
    %sqrt3A_351 = math.sqrt %broadcast_in_dim3A_350 : vector<512x1xf32>
    %max3A_352 = arith.constant 9.99999993E-9 : f32
    %max3A_353 = vector.broadcast %max3A_352 : f32 to vector<512x1xf32>
    %max3A_354 = arith.maximumf %sqrt3A_351, %max3A_353 : vector<512x1xf32>
    %div3A_355 = vector.broadcast %max3A_354 : vector<512x1xf32> to vector<512x96xf32>
    %div3A_356 = arith.divf %slice3A_336, %div3A_355 : vector<512x96xf32>
    %dot_general3A_357 = arith.constant dense<0.000000e+00> : vector<512x512xf32>
    %dot_general3A_358 = tpu.matmul %div3A_346, %div3A_356, %dot_general3A_357 {dimension_numbers = #tpu.dot_dimension_numbers<[1], [1], [0], [0], [0, 0, 1, 0], [], []>, transpose_lhs_hint = false} : vector<512x96xf32>, vector<512x96xf32>, vector<512x512xf32> -> vector<512x512xf32>
    %reduce_max3A_359 = arith.constant dense<0xFF800000> : vector<512xf32>
    %reduce_max3A_360 = vector.multi_reduction <maximumf>, %dot_general3A_358, %reduce_max3A_359 [1] : vector<512x512xf32> to vector<512xf32>
    %broadcast_in_dim3A_361 = vector.shape_cast %reduce_max3A_360 : vector<512xf32> to vector<512x1xf32>
    %iota3A_362 = tpu.iota {dimensions = array<i32: 1>} : vector<512x512xi32>
    %eq3A_363 = vector.broadcast %broadcast_in_dim3A_361 : vector<512x1xf32> to vector<512x512xf32>
    %eq3A_364 = arith.cmpf oeq, %dot_general3A_358, %eq3A_363 : vector<512x512xf32>
    %jit3A_365 = arith.constant 512 : i32
    %broadcast_in_dim3A_366 = vector.broadcast %jit3A_365 : i32 to vector<512x512xi32>
    %select_n3A_367 = arith.select %eq3A_364, %iota3A_362, %broadcast_in_dim3A_366 : vector<512x512xi1>, vector<512x512xi32>
    %reduce_min3A_368 = arith.constant dense<2147483647> : vector<512xi32>
    %reduce_min3A_369 = vector.multi_reduction <minsi>, %select_n3A_367, %reduce_min3A_368 [1] : vector<512x512xi32> to vector<512xi32>
    %broadcast_in_dim3A_370 = vector.shape_cast %reduce_min3A_369 : vector<512xi32> to vector<512x1xi32>
    %iota3A_371 = tpu.iota {dimensions = array<i32: 1>} : vector<512x512xi32>
    %eq3A_372 = vector.broadcast %broadcast_in_dim3A_370 : vector<512x1xi32> to vector<512x512xi32>
    %eq3A_373 = arith.cmpi eq, %eq3A_372, %iota3A_371 : vector<512x512xi32>
    %convert_element_type3A_374 = arith.extui %eq3A_373 : vector<512x512xi1> to vector<512x512xi32>
    %convert_element_type3A_375 = arith.sitofp %convert_element_type3A_374 : vector<512x512xi32> to vector<512x512xf32>
    %add3A_376 = arith.addf %slice3A_329, %slice3A_336 : vector<512x96xf32>
    %mul3A_377 = arith.constant 5.000000e-01 : f32
    %mul3A_378 = vector.broadcast %mul3A_377 : f32 to vector<512x96xf32>
    %mul3A_379 = arith.mulf %add3A_376, %mul3A_378 : vector<512x96xf32>
    %convert_element_type3A_380 = arith.truncf %mul3A_379 : vector<512x96xf32> to vector<512x96xbf16>
    %convert_element_type3A_381 = arith.extf %convert_element_type3A_380 : vector<512x96xbf16> to vector<512x96xf32>
    %sub3A_382 = arith.subf %mul3A_379, %convert_element_type3A_381 : vector<512x96xf32>
    %convert_element_type3A_383 = arith.truncf %sub3A_382 : vector<512x96xf32> to vector<512x96xbf16>
    %convert_element_type3A_384 = arith.extf %convert_element_type3A_383 : vector<512x96xbf16> to vector<512x96xf32>
    %sub3A_385 = arith.subf %sub3A_382, %convert_element_type3A_384 : vector<512x96xf32>
    %dot_general3A_386 = arith.constant dense<0.000000e+00> : vector<512x96xf32>
    %dot_general3A_387 = tpu.matmul %convert_element_type3A_375, %convert_element_type3A_381, %dot_general3A_386 {dimension_numbers = #tpu.dot_dimension_numbers<[1], [0], [0], [1], [0, 0, 1, 1], [], []>, transpose_lhs_hint = false} : vector<512x512xf32>, vector<512x96xf32>, vector<512x96xf32> -> vector<512x96xf32>
    %dot_general3A_388 = arith.constant dense<0.000000e+00> : vector<512x96xf32>
    %dot_general3A_389 = tpu.matmul %convert_element_type3A_375, %convert_element_type3A_384, %dot_general3A_388 {dimension_numbers = #tpu.dot_dimension_numbers<[1], [0], [0], [1], [0, 0, 1, 1], [], []>, transpose_lhs_hint = false} : vector<512x512xf32>, vector<512x96xf32>, vector<512x96xf32> -> vector<512x96xf32>
    %add3A_390 = arith.addf %dot_general3A_387, %dot_general3A_389 : vector<512x96xf32>
    %dot_general3A_391 = arith.constant dense<0.000000e+00> : vector<512x96xf32>
    %dot_general3A_392 = tpu.matmul %convert_element_type3A_375, %sub3A_385, %dot_general3A_391 {dimension_numbers = #tpu.dot_dimension_numbers<[1], [0], [0], [1], [0, 0, 1, 1], [], []>, transpose_lhs_hint = false} : vector<512x512xf32>, vector<512x96xf32>, vector<512x96xf32> -> vector<512x96xf32>
    %add3A_393 = arith.addf %add3A_390, %dot_general3A_392 : vector<512x96xf32>
    %mul3A_394 = arith.mulf %add3A_393, %add3A_393 : vector<512x96xf32>
    %reduce_sum3A_395 = arith.constant dense<0.000000e+00> : vector<512xf32>
    %reduce_sum3A_396 = vector.multi_reduction <add>, %mul3A_394, %reduce_sum3A_395 [1] : vector<512x96xf32> to vector<512xf32>
    %broadcast_in_dim3A_397 = vector.shape_cast %reduce_sum3A_396 : vector<512xf32> to vector<512x1xf32>
    %sqrt3A_398 = math.sqrt %broadcast_in_dim3A_397 : vector<512x1xf32>
    %max3A_399 = arith.constant 9.99999993E-9 : f32
    %max3A_400 = vector.broadcast %max3A_399 : f32 to vector<512x1xf32>
    %max3A_401 = arith.maximumf %sqrt3A_398, %max3A_400 : vector<512x1xf32>
    %div3A_402 = vector.broadcast %max3A_401 : vector<512x1xf32> to vector<512x96xf32>
    %div3A_403 = arith.divf %add3A_393, %div3A_402 : vector<512x96xf32>
    %dot_general3A_404 = arith.constant dense<0.000000e+00> : vector<512x512xf32>
    %dot_general3A_405 = tpu.matmul %div3A_403, %div3A_403, %dot_general3A_404 {dimension_numbers = #tpu.dot_dimension_numbers<[1], [1], [0], [0], [0, 0, 1, 0], [], []>, transpose_lhs_hint = false} : vector<512x96xf32>, vector<512x96xf32>, vector<512x512xf32> -> vector<512x512xf32>
    %reduce_max3A_406 = arith.constant dense<0xFF800000> : vector<512xf32>
    %reduce_max3A_407 = vector.multi_reduction <maximumf>, %dot_general3A_405, %reduce_max3A_406 [1] : vector<512x512xf32> to vector<512xf32>
    %broadcast_in_dim3A_408 = vector.shape_cast %reduce_max3A_407 : vector<512xf32> to vector<512x1xf32>
    %iota3A_409 = tpu.iota {dimensions = array<i32: 1>} : vector<512x512xi32>
    %eq3A_410 = vector.broadcast %broadcast_in_dim3A_408 : vector<512x1xf32> to vector<512x512xf32>
    %eq3A_411 = arith.cmpf oeq, %dot_general3A_405, %eq3A_410 : vector<512x512xf32>
    %jit3A_412 = arith.constant 512 : i32
    %broadcast_in_dim3A_413 = vector.broadcast %jit3A_412 : i32 to vector<512x512xi32>
    %select_n3A_414 = arith.select %eq3A_411, %iota3A_409, %broadcast_in_dim3A_413 : vector<512x512xi1>, vector<512x512xi32>
    %reduce_min3A_415 = arith.constant dense<2147483647> : vector<512xi32>
    %reduce_min3A_416 = vector.multi_reduction <minsi>, %select_n3A_414, %reduce_min3A_415 [1] : vector<512x512xi32> to vector<512xi32>
    %broadcast_in_dim3A_417 = vector.shape_cast %reduce_min3A_416 : vector<512xi32> to vector<512x1xi32>
    %eq3A_418 = vector.broadcast %broadcast_in_dim3A_417 : vector<512x1xi32> to vector<512x512xi32>
    %eq3A_419 = arith.cmpi eq, %eq3A_418, %iota3A_371 : vector<512x512xi32>
    %convert_element_type3A_420 = arith.extui %eq3A_419 : vector<512x512xi1> to vector<512x512xi32>
    %convert_element_type3A_421 = arith.sitofp %convert_element_type3A_420 : vector<512x512xi32> to vector<512x512xf32>
    %reduce_sum3A_422 = arith.constant dense<0.000000e+00> : vector<512xf32>
    %reduce_sum3A_423 = vector.multi_reduction <add>, %convert_element_type3A_421, %reduce_sum3A_422 [0] : vector<512x512xf32> to vector<512xf32>
    %broadcast_in_dim3A_424 = vector.shape_cast %reduce_sum3A_423 : vector<512xf32> to vector<1x512xf32>
    %dot_general3A_425 = arith.constant dense<0.000000e+00> : vector<1x96xf32>
    %dot_general3A_426 = tpu.matmul %broadcast_in_dim3A_424, %add3A_393, %dot_general3A_425 {dimension_numbers = #tpu.dot_dimension_numbers<[1], [0], [0], [1], [0, 0, 1, 1], [], []>, precision = #tpu.contract_precision<fp32>, transpose_lhs_hint = false} : vector<1x512xf32>, vector<512x96xf32>, vector<1x96xf32> -> vector<1x96xf32>
    %mul3A_427 = arith.constant 0.001953125 : f32
    %mul3A_428 = vector.broadcast %mul3A_427 : f32 to vector<1x96xf32>
    %mul3A_429 = arith.mulf %dot_general3A_426, %mul3A_428 : vector<1x96xf32>
    %swap3A_430 = arith.constant 3 : index
    %swap3A_431 = arith.constant 0 : index
    %swap3A_432 = arith.constant 0 : index
    %swap3A_433 = arith.constant 0 : index
    %swap3A_434 = vector.load %arg2[%swap3A_430, %swap3A_431, %swap3A_432, %swap3A_433] : memref<7x1x1x96xf32, #tpu.memory_space<vmem>>, vector<1x1x1x96xf32>
    %swap3A_435 = vector.shape_cast %swap3A_434 : vector<1x1x1x96xf32> to vector<1x96xf32>
    %swap3A_436 = vector.shape_cast %mul3A_429 : vector<1x96xf32> to vector<1x1x1x96xf32>
    tpu.vector_store %arg2[%swap3A_430, %swap3A_431, %swap3A_432, %swap3A_433], %swap3A_436 {strides = array<i32>} : memref<7x1x1x96xf32, #tpu.memory_space<vmem>>, vector<1x1x1x96xf32>,
    %get3A_437 = arith.constant 4 : index
    %get3A_438 = arith.constant 0 : index
    %get3A_439 = arith.constant 0 : index
    %get3A_440 = arith.constant 0 : index
    %get3A_441 = vector.load %arg1[%get3A_437, %get3A_438, %get3A_439, %get3A_440] : memref<8x1x512x128xf32, #tpu.memory_space<vmem>>, vector<1x1x512x128xf32>
    %get3A_442 = vector.shape_cast %get3A_441 : vector<1x1x512x128xf32> to vector<512x128xf32>
    %slice3A_443 = vector.extract_strided_slice %get3A_442 {offsets = [0, 0], sizes = [512, 96], strides = [1, 1]} : vector<512x128xf32> to vector<512x96xf32>
    %get3A_444 = arith.constant 5 : index
    %get3A_445 = arith.constant 0 : index
    %get3A_446 = arith.constant 0 : index
    %get3A_447 = arith.constant 0 : index
    %get3A_448 = vector.load %arg1[%get3A_444, %get3A_445, %get3A_446, %get3A_447] : memref<8x1x512x128xf32, #tpu.memory_space<vmem>>, vector<1x1x512x128xf32>
    %get3A_449 = vector.shape_cast %get3A_448 : vector<1x1x512x128xf32> to vector<512x128xf32>
    %slice3A_450 = vector.extract_strided_slice %get3A_449 {offsets = [0, 0], sizes = [512, 96], strides = [1, 1]} : vector<512x128xf32> to vector<512x96xf32>
    %mul3A_451 = arith.mulf %slice3A_443, %slice3A_443 : vector<512x96xf32>
    %reduce_sum3A_452 = arith.constant dense<0.000000e+00> : vector<512xf32>
    %reduce_sum3A_453 = vector.multi_reduction <add>, %mul3A_451, %reduce_sum3A_452 [1] : vector<512x96xf32> to vector<512xf32>
    %broadcast_in_dim3A_454 = vector.shape_cast %reduce_sum3A_453 : vector<512xf32> to vector<512x1xf32>
    %sqrt3A_455 = math.sqrt %broadcast_in_dim3A_454 : vector<512x1xf32>
    %max3A_456 = arith.constant 9.99999993E-9 : f32
    %max3A_457 = vector.broadcast %max3A_456 : f32 to vector<512x1xf32>
    %max3A_458 = arith.maximumf %sqrt3A_455, %max3A_457 : vector<512x1xf32>
    %div3A_459 = vector.broadcast %max3A_458 : vector<512x1xf32> to vector<512x96xf32>
    %div3A_460 = arith.divf %slice3A_443, %div3A_459 : vector<512x96xf32>
    %mul3A_461 = arith.mulf %slice3A_450, %slice3A_450 : vector<512x96xf32>
    %reduce_sum3A_462 = arith.constant dense<0.000000e+00> : vector<512xf32>
    %reduce_sum3A_463 = vector.multi_reduction <add>, %mul3A_461, %reduce_sum3A_462 [1] : vector<512x96xf32> to vector<512xf32>
    %broadcast_in_dim3A_464 = vector.shape_cast %reduce_sum3A_463 : vector<512xf32> to vector<512x1xf32>
    %sqrt3A_465 = math.sqrt %broadcast_in_dim3A_464 : vector<512x1xf32>
    %max3A_466 = arith.constant 9.99999993E-9 : f32
    %max3A_467 = vector.broadcast %max3A_466 : f32 to vector<512x1xf32>
    %max3A_468 = arith.maximumf %sqrt3A_465, %max3A_467 : vector<512x1xf32>
    %div3A_469 = vector.broadcast %max3A_468 : vector<512x1xf32> to vector<512x96xf32>
    %div3A_470 = arith.divf %slice3A_450, %div3A_469 : vector<512x96xf32>
    %dot_general3A_471 = arith.constant dense<0.000000e+00> : vector<512x512xf32>
    %dot_general3A_472 = tpu.matmul %div3A_460, %div3A_470, %dot_general3A_471 {dimension_numbers = #tpu.dot_dimension_numbers<[1], [1], [0], [0], [0, 0, 1, 0], [], []>, transpose_lhs_hint = false} : vector<512x96xf32>, vector<512x96xf32>, vector<512x512xf32> -> vector<512x512xf32>
    %reduce_max3A_473 = arith.constant dense<0xFF800000> : vector<512xf32>
    %reduce_max3A_474 = vector.multi_reduction <maximumf>, %dot_general3A_472, %reduce_max3A_473 [1] : vector<512x512xf32> to vector<512xf32>
    %broadcast_in_dim3A_475 = vector.shape_cast %reduce_max3A_474 : vector<512xf32> to vector<512x1xf32>
    %iota3A_476 = tpu.iota {dimensions = array<i32: 1>} : vector<512x512xi32>
    %eq3A_477 = vector.broadcast %broadcast_in_dim3A_475 : vector<512x1xf32> to vector<512x512xf32>
    %eq3A_478 = arith.cmpf oeq, %dot_general3A_472, %eq3A_477 : vector<512x512xf32>
    %jit3A_479 = arith.constant 512 : i32
    %broadcast_in_dim3A_480 = vector.broadcast %jit3A_479 : i32 to vector<512x512xi32>
    %select_n3A_481 = arith.select %eq3A_478, %iota3A_476, %broadcast_in_dim3A_480 : vector<512x512xi1>, vector<512x512xi32>
    %reduce_min3A_482 = arith.constant dense<2147483647> : vector<512xi32>
    %reduce_min3A_483 = vector.multi_reduction <minsi>, %select_n3A_481, %reduce_min3A_482 [1] : vector<512x512xi32> to vector<512xi32>
    %broadcast_in_dim3A_484 = vector.shape_cast %reduce_min3A_483 : vector<512xi32> to vector<512x1xi32>
    %iota3A_485 = tpu.iota {dimensions = array<i32: 1>} : vector<512x512xi32>
    %eq3A_486 = vector.broadcast %broadcast_in_dim3A_484 : vector<512x1xi32> to vector<512x512xi32>
    %eq3A_487 = arith.cmpi eq, %eq3A_486, %iota3A_485 : vector<512x512xi32>
    %convert_element_type3A_488 = arith.extui %eq3A_487 : vector<512x512xi1> to vector<512x512xi32>
    %convert_element_type3A_489 = arith.sitofp %convert_element_type3A_488 : vector<512x512xi32> to vector<512x512xf32>
    %add3A_490 = arith.addf %slice3A_443, %slice3A_450 : vector<512x96xf32>
    %mul3A_491 = arith.constant 5.000000e-01 : f32
    %mul3A_492 = vector.broadcast %mul3A_491 : f32 to vector<512x96xf32>
    %mul3A_493 = arith.mulf %add3A_490, %mul3A_492 : vector<512x96xf32>
    %convert_element_type3A_494 = arith.truncf %mul3A_493 : vector<512x96xf32> to vector<512x96xbf16>
    %convert_element_type3A_495 = arith.extf %convert_element_type3A_494 : vector<512x96xbf16> to vector<512x96xf32>
    %sub3A_496 = arith.subf %mul3A_493, %convert_element_type3A_495 : vector<512x96xf32>
    %convert_element_type3A_497 = arith.truncf %sub3A_496 : vector<512x96xf32> to vector<512x96xbf16>
    %convert_element_type3A_498 = arith.extf %convert_element_type3A_497 : vector<512x96xbf16> to vector<512x96xf32>
    %sub3A_499 = arith.subf %sub3A_496, %convert_element_type3A_498 : vector<512x96xf32>
    %dot_general3A_500 = arith.constant dense<0.000000e+00> : vector<512x96xf32>
    %dot_general3A_501 = tpu.matmul %convert_element_type3A_489, %convert_element_type3A_495, %dot_general3A_500 {dimension_numbers = #tpu.dot_dimension_numbers<[1], [0], [0], [1], [0, 0, 1, 1], [], []>, transpose_lhs_hint = false} : vector<512x512xf32>, vector<512x96xf32>, vector<512x96xf32> -> vector<512x96xf32>
    %dot_general3A_502 = arith.constant dense<0.000000e+00> : vector<512x96xf32>
    %dot_general3A_503 = tpu.matmul %convert_element_type3A_489, %convert_element_type3A_498, %dot_general3A_502 {dimension_numbers = #tpu.dot_dimension_numbers<[1], [0], [0], [1], [0, 0, 1, 1], [], []>, transpose_lhs_hint = false} : vector<512x512xf32>, vector<512x96xf32>, vector<512x96xf32> -> vector<512x96xf32>
    %add3A_504 = arith.addf %dot_general3A_501, %dot_general3A_503 : vector<512x96xf32>
    %dot_general3A_505 = arith.constant dense<0.000000e+00> : vector<512x96xf32>
    %dot_general3A_506 = tpu.matmul %convert_element_type3A_489, %sub3A_499, %dot_general3A_505 {dimension_numbers = #tpu.dot_dimension_numbers<[1], [0], [0], [1], [0, 0, 1, 1], [], []>, transpose_lhs_hint = false} : vector<512x512xf32>, vector<512x96xf32>, vector<512x96xf32> -> vector<512x96xf32>
    %add3A_507 = arith.addf %add3A_504, %dot_general3A_506 : vector<512x96xf32>
    %mul3A_508 = arith.mulf %add3A_507, %add3A_507 : vector<512x96xf32>
    %reduce_sum3A_509 = arith.constant dense<0.000000e+00> : vector<512xf32>
    %reduce_sum3A_510 = vector.multi_reduction <add>, %mul3A_508, %reduce_sum3A_509 [1] : vector<512x96xf32> to vector<512xf32>
    %broadcast_in_dim3A_511 = vector.shape_cast %reduce_sum3A_510 : vector<512xf32> to vector<512x1xf32>
    %sqrt3A_512 = math.sqrt %broadcast_in_dim3A_511 : vector<512x1xf32>
    %max3A_513 = arith.constant 9.99999993E-9 : f32
    %max3A_514 = vector.broadcast %max3A_513 : f32 to vector<512x1xf32>
    %max3A_515 = arith.maximumf %sqrt3A_512, %max3A_514 : vector<512x1xf32>
    %div3A_516 = vector.broadcast %max3A_515 : vector<512x1xf32> to vector<512x96xf32>
    %div3A_517 = arith.divf %add3A_507, %div3A_516 : vector<512x96xf32>
    %dot_general3A_518 = arith.constant dense<0.000000e+00> : vector<512x512xf32>
    %dot_general3A_519 = tpu.matmul %div3A_517, %div3A_517, %dot_general3A_518 {dimension_numbers = #tpu.dot_dimension_numbers<[1], [1], [0], [0], [0, 0, 1, 0], [], []>, transpose_lhs_hint = false} : vector<512x96xf32>, vector<512x96xf32>, vector<512x512xf32> -> vector<512x512xf32>
    %reduce_max3A_520 = arith.constant dense<0xFF800000> : vector<512xf32>
    %reduce_max3A_521 = vector.multi_reduction <maximumf>, %dot_general3A_519, %reduce_max3A_520 [1] : vector<512x512xf32> to vector<512xf32>
    %broadcast_in_dim3A_522 = vector.shape_cast %reduce_max3A_521 : vector<512xf32> to vector<512x1xf32>
    %iota3A_523 = tpu.iota {dimensions = array<i32: 1>} : vector<512x512xi32>
    %eq3A_524 = vector.broadcast %broadcast_in_dim3A_522 : vector<512x1xf32> to vector<512x512xf32>
    %eq3A_525 = arith.cmpf oeq, %dot_general3A_519, %eq3A_524 : vector<512x512xf32>
    %jit3A_526 = arith.constant 512 : i32
    %broadcast_in_dim3A_527 = vector.broadcast %jit3A_526 : i32 to vector<512x512xi32>
    %select_n3A_528 = arith.select %eq3A_525, %iota3A_523, %broadcast_in_dim3A_527 : vector<512x512xi1>, vector<512x512xi32>
    %reduce_min3A_529 = arith.constant dense<2147483647> : vector<512xi32>
    %reduce_min3A_530 = vector.multi_reduction <minsi>, %select_n3A_528, %reduce_min3A_529 [1] : vector<512x512xi32> to vector<512xi32>
    %broadcast_in_dim3A_531 = vector.shape_cast %reduce_min3A_530 : vector<512xi32> to vector<512x1xi32>
    %eq3A_532 = vector.broadcast %broadcast_in_dim3A_531 : vector<512x1xi32> to vector<512x512xi32>
    %eq3A_533 = arith.cmpi eq, %eq3A_532, %iota3A_485 : vector<512x512xi32>
    %convert_element_type3A_534 = arith.extui %eq3A_533 : vector<512x512xi1> to vector<512x512xi32>
    %convert_element_type3A_535 = arith.sitofp %convert_element_type3A_534 : vector<512x512xi32> to vector<512x512xf32>
    %reduce_sum3A_536 = arith.constant dense<0.000000e+00> : vector<512xf32>
    %reduce_sum3A_537 = vector.multi_reduction <add>, %convert_element_type3A_535, %reduce_sum3A_536 [0] : vector<512x512xf32> to vector<512xf32>
    %broadcast_in_dim3A_538 = vector.shape_cast %reduce_sum3A_537 : vector<512xf32> to vector<1x512xf32>
    %dot_general3A_539 = arith.constant dense<0.000000e+00> : vector<1x96xf32>
    %dot_general3A_540 = tpu.matmul %broadcast_in_dim3A_538, %add3A_507, %dot_general3A_539 {dimension_numbers = #tpu.dot_dimension_numbers<[1], [0], [0], [1], [0, 0, 1, 1], [], []>, precision = #tpu.contract_precision<fp32>, transpose_lhs_hint = false} : vector<1x512xf32>, vector<512x96xf32>, vector<1x96xf32> -> vector<1x96xf32>
    %mul3A_541 = arith.constant 0.001953125 : f32
    %mul3A_542 = vector.broadcast %mul3A_541 : f32 to vector<1x96xf32>
    %mul3A_543 = arith.mulf %dot_general3A_540, %mul3A_542 : vector<1x96xf32>
    %swap3A_544 = arith.constant 4 : index
    %swap3A_545 = arith.constant 0 : index
    %swap3A_546 = arith.constant 0 : index
    %swap3A_547 = arith.constant 0 : index
    %swap3A_548 = vector.load %arg2[%swap3A_544, %swap3A_545, %swap3A_546, %swap3A_547] : memref<7x1x1x96xf32, #tpu.memory_space<vmem>>, vector<1x1x1x96xf32>
    %swap3A_549 = vector.shape_cast %swap3A_548 : vector<1x1x1x96xf32> to vector<1x96xf32>
    %swap3A_550 = vector.shape_cast %mul3A_543 : vector<1x96xf32> to vector<1x1x1x96xf32>
    tpu.vector_store %arg2[%swap3A_544, %swap3A_545, %swap3A_546, %swap3A_547], %swap3A_550 {strides = array<i32>} : memref<7x1x1x96xf32, #tpu.memory_space<vmem>>, vector<1x1x1x96xf32>,
    %get3A_551 = arith.constant 5 : index
    %get3A_552 = arith.constant 0 : index
    %get3A_553 = arith.constant 0 : index
    %get3A_554 = arith.constant 0 : index
    %get3A_555 = vector.load %arg1[%get3A_551, %get3A_552, %get3A_553, %get3A_554] : memref<8x1x512x128xf32, #tpu.memory_space<vmem>>, vector<1x1x512x128xf32>
    %get3A_556 = vector.shape_cast %get3A_555 : vector<1x1x512x128xf32> to vector<512x128xf32>
    %slice3A_557 = vector.extract_strided_slice %get3A_556 {offsets = [0, 0], sizes = [512, 96], strides = [1, 1]} : vector<512x128xf32> to vector<512x96xf32>
    %get3A_558 = arith.constant 6 : index
    %get3A_559 = arith.constant 0 : index
    %get3A_560 = arith.constant 0 : index
    %get3A_561 = arith.constant 0 : index
    %get3A_562 = vector.load %arg1[%get3A_558, %get3A_559, %get3A_560, %get3A_561] : memref<8x1x512x128xf32, #tpu.memory_space<vmem>>, vector<1x1x512x128xf32>
    %get3A_563 = vector.shape_cast %get3A_562 : vector<1x1x512x128xf32> to vector<512x128xf32>
    %slice3A_564 = vector.extract_strided_slice %get3A_563 {offsets = [0, 0], sizes = [512, 96], strides = [1, 1]} : vector<512x128xf32> to vector<512x96xf32>
    %mul3A_565 = arith.mulf %slice3A_557, %slice3A_557 : vector<512x96xf32>
    %reduce_sum3A_566 = arith.constant dense<0.000000e+00> : vector<512xf32>
    %reduce_sum3A_567 = vector.multi_reduction <add>, %mul3A_565, %reduce_sum3A_566 [1] : vector<512x96xf32> to vector<512xf32>
    %broadcast_in_dim3A_568 = vector.shape_cast %reduce_sum3A_567 : vector<512xf32> to vector<512x1xf32>
    %sqrt3A_569 = math.sqrt %broadcast_in_dim3A_568 : vector<512x1xf32>
    %max3A_570 = arith.constant 9.99999993E-9 : f32
    %max3A_571 = vector.broadcast %max3A_570 : f32 to vector<512x1xf32>
    %max3A_572 = arith.maximumf %sqrt3A_569, %max3A_571 : vector<512x1xf32>
    %div3A_573 = vector.broadcast %max3A_572 : vector<512x1xf32> to vector<512x96xf32>
    %div3A_574 = arith.divf %slice3A_557, %div3A_573 : vector<512x96xf32>
    %mul3A_575 = arith.mulf %slice3A_564, %slice3A_564 : vector<512x96xf32>
    %reduce_sum3A_576 = arith.constant dense<0.000000e+00> : vector<512xf32>
    %reduce_sum3A_577 = vector.multi_reduction <add>, %mul3A_575, %reduce_sum3A_576 [1] : vector<512x96xf32> to vector<512xf32>
    %broadcast_in_dim3A_578 = vector.shape_cast %reduce_sum3A_577 : vector<512xf32> to vector<512x1xf32>
    %sqrt3A_579 = math.sqrt %broadcast_in_dim3A_578 : vector<512x1xf32>
    %max3A_580 = arith.constant 9.99999993E-9 : f32
    %max3A_581 = vector.broadcast %max3A_580 : f32 to vector<512x1xf32>
    %max3A_582 = arith.maximumf %sqrt3A_579, %max3A_581 : vector<512x1xf32>
    %div3A_583 = vector.broadcast %max3A_582 : vector<512x1xf32> to vector<512x96xf32>
    %div3A_584 = arith.divf %slice3A_564, %div3A_583 : vector<512x96xf32>
    %dot_general3A_585 = arith.constant dense<0.000000e+00> : vector<512x512xf32>
    %dot_general3A_586 = tpu.matmul %div3A_574, %div3A_584, %dot_general3A_585 {dimension_numbers = #tpu.dot_dimension_numbers<[1], [1], [0], [0], [0, 0, 1, 0], [], []>, transpose_lhs_hint = false} : vector<512x96xf32>, vector<512x96xf32>, vector<512x512xf32> -> vector<512x512xf32>
    %reduce_max3A_587 = arith.constant dense<0xFF800000> : vector<512xf32>
    %reduce_max3A_588 = vector.multi_reduction <maximumf>, %dot_general3A_586, %reduce_max3A_587 [1] : vector<512x512xf32> to vector<512xf32>
    %broadcast_in_dim3A_589 = vector.shape_cast %reduce_max3A_588 : vector<512xf32> to vector<512x1xf32>
    %iota3A_590 = tpu.iota {dimensions = array<i32: 1>} : vector<512x512xi32>
    %eq3A_591 = vector.broadcast %broadcast_in_dim3A_589 : vector<512x1xf32> to vector<512x512xf32>
    %eq3A_592 = arith.cmpf oeq, %dot_general3A_586, %eq3A_591 : vector<512x512xf32>
    %jit3A_593 = arith.constant 512 : i32
    %broadcast_in_dim3A_594 = vector.broadcast %jit3A_593 : i32 to vector<512x512xi32>
    %select_n3A_595 = arith.select %eq3A_592, %iota3A_590, %broadcast_in_dim3A_594 : vector<512x512xi1>, vector<512x512xi32>
    %reduce_min3A_596 = arith.constant dense<2147483647> : vector<512xi32>
    %reduce_min3A_597 = vector.multi_reduction <minsi>, %select_n3A_595, %reduce_min3A_596 [1] : vector<512x512xi32> to vector<512xi32>
    %broadcast_in_dim3A_598 = vector.shape_cast %reduce_min3A_597 : vector<512xi32> to vector<512x1xi32>
    %iota3A_599 = tpu.iota {dimensions = array<i32: 1>} : vector<512x512xi32>
    %eq3A_600 = vector.broadcast %broadcast_in_dim3A_598 : vector<512x1xi32> to vector<512x512xi32>
    %eq3A_601 = arith.cmpi eq, %eq3A_600, %iota3A_599 : vector<512x512xi32>
    %convert_element_type3A_602 = arith.extui %eq3A_601 : vector<512x512xi1> to vector<512x512xi32>
    %convert_element_type3A_603 = arith.sitofp %convert_element_type3A_602 : vector<512x512xi32> to vector<512x512xf32>
    %add3A_604 = arith.addf %slice3A_557, %slice3A_564 : vector<512x96xf32>
    %mul3A_605 = arith.constant 5.000000e-01 : f32
    %mul3A_606 = vector.broadcast %mul3A_605 : f32 to vector<512x96xf32>
    %mul3A_607 = arith.mulf %add3A_604, %mul3A_606 : vector<512x96xf32>
    %convert_element_type3A_608 = arith.truncf %mul3A_607 : vector<512x96xf32> to vector<512x96xbf16>
    %convert_element_type3A_609 = arith.extf %convert_element_type3A_608 : vector<512x96xbf16> to vector<512x96xf32>
    %sub3A_610 = arith.subf %mul3A_607, %convert_element_type3A_609 : vector<512x96xf32>
    %convert_element_type3A_611 = arith.truncf %sub3A_610 : vector<512x96xf32> to vector<512x96xbf16>
    %convert_element_type3A_612 = arith.extf %convert_element_type3A_611 : vector<512x96xbf16> to vector<512x96xf32>
    %sub3A_613 = arith.subf %sub3A_610, %convert_element_type3A_612 : vector<512x96xf32>
    %dot_general3A_614 = arith.constant dense<0.000000e+00> : vector<512x96xf32>
    %dot_general3A_615 = tpu.matmul %convert_element_type3A_603, %convert_element_type3A_609, %dot_general3A_614 {dimension_numbers = #tpu.dot_dimension_numbers<[1], [0], [0], [1], [0, 0, 1, 1], [], []>, transpose_lhs_hint = false} : vector<512x512xf32>, vector<512x96xf32>, vector<512x96xf32> -> vector<512x96xf32>
    %dot_general3A_616 = arith.constant dense<0.000000e+00> : vector<512x96xf32>
    %dot_general3A_617 = tpu.matmul %convert_element_type3A_603, %convert_element_type3A_612, %dot_general3A_616 {dimension_numbers = #tpu.dot_dimension_numbers<[1], [0], [0], [1], [0, 0, 1, 1], [], []>, transpose_lhs_hint = false} : vector<512x512xf32>, vector<512x96xf32>, vector<512x96xf32> -> vector<512x96xf32>
    %add3A_618 = arith.addf %dot_general3A_615, %dot_general3A_617 : vector<512x96xf32>
    %dot_general3A_619 = arith.constant dense<0.000000e+00> : vector<512x96xf32>
    %dot_general3A_620 = tpu.matmul %convert_element_type3A_603, %sub3A_613, %dot_general3A_619 {dimension_numbers = #tpu.dot_dimension_numbers<[1], [0], [0], [1], [0, 0, 1, 1], [], []>, transpose_lhs_hint = false} : vector<512x512xf32>, vector<512x96xf32>, vector<512x96xf32> -> vector<512x96xf32>
    %add3A_621 = arith.addf %add3A_618, %dot_general3A_620 : vector<512x96xf32>
    %mul3A_622 = arith.mulf %add3A_621, %add3A_621 : vector<512x96xf32>
    %reduce_sum3A_623 = arith.constant dense<0.000000e+00> : vector<512xf32>
    %reduce_sum3A_624 = vector.multi_reduction <add>, %mul3A_622, %reduce_sum3A_623 [1] : vector<512x96xf32> to vector<512xf32>
    %broadcast_in_dim3A_625 = vector.shape_cast %reduce_sum3A_624 : vector<512xf32> to vector<512x1xf32>
    %sqrt3A_626 = math.sqrt %broadcast_in_dim3A_625 : vector<512x1xf32>
    %max3A_627 = arith.constant 9.99999993E-9 : f32
    %max3A_628 = vector.broadcast %max3A_627 : f32 to vector<512x1xf32>
    %max3A_629 = arith.maximumf %sqrt3A_626, %max3A_628 : vector<512x1xf32>
    %div3A_630 = vector.broadcast %max3A_629 : vector<512x1xf32> to vector<512x96xf32>
    %div3A_631 = arith.divf %add3A_621, %div3A_630 : vector<512x96xf32>
    %dot_general3A_632 = arith.constant dense<0.000000e+00> : vector<512x512xf32>
    %dot_general3A_633 = tpu.matmul %div3A_631, %div3A_631, %dot_general3A_632 {dimension_numbers = #tpu.dot_dimension_numbers<[1], [1], [0], [0], [0, 0, 1, 0], [], []>, transpose_lhs_hint = false} : vector<512x96xf32>, vector<512x96xf32>, vector<512x512xf32> -> vector<512x512xf32>
    %reduce_max3A_634 = arith.constant dense<0xFF800000> : vector<512xf32>
    %reduce_max3A_635 = vector.multi_reduction <maximumf>, %dot_general3A_633, %reduce_max3A_634 [1] : vector<512x512xf32> to vector<512xf32>
    %broadcast_in_dim3A_636 = vector.shape_cast %reduce_max3A_635 : vector<512xf32> to vector<512x1xf32>
    %iota3A_637 = tpu.iota {dimensions = array<i32: 1>} : vector<512x512xi32>
    %eq3A_638 = vector.broadcast %broadcast_in_dim3A_636 : vector<512x1xf32> to vector<512x512xf32>
    %eq3A_639 = arith.cmpf oeq, %dot_general3A_633, %eq3A_638 : vector<512x512xf32>
    %jit3A_640 = arith.constant 512 : i32
    %broadcast_in_dim3A_641 = vector.broadcast %jit3A_640 : i32 to vector<512x512xi32>
    %select_n3A_642 = arith.select %eq3A_639, %iota3A_637, %broadcast_in_dim3A_641 : vector<512x512xi1>, vector<512x512xi32>
    %reduce_min3A_643 = arith.constant dense<2147483647> : vector<512xi32>
    %reduce_min3A_644 = vector.multi_reduction <minsi>, %select_n3A_642, %reduce_min3A_643 [1] : vector<512x512xi32> to vector<512xi32>
    %broadcast_in_dim3A_645 = vector.shape_cast %reduce_min3A_644 : vector<512xi32> to vector<512x1xi32>
    %eq3A_646 = vector.broadcast %broadcast_in_dim3A_645 : vector<512x1xi32> to vector<512x512xi32>
    %eq3A_647 = arith.cmpi eq, %eq3A_646, %iota3A_599 : vector<512x512xi32>
    %convert_element_type3A_648 = arith.extui %eq3A_647 : vector<512x512xi1> to vector<512x512xi32>
    %convert_element_type3A_649 = arith.sitofp %convert_element_type3A_648 : vector<512x512xi32> to vector<512x512xf32>
    %reduce_sum3A_650 = arith.constant dense<0.000000e+00> : vector<512xf32>
    %reduce_sum3A_651 = vector.multi_reduction <add>, %convert_element_type3A_649, %reduce_sum3A_650 [0] : vector<512x512xf32> to vector<512xf32>
    %broadcast_in_dim3A_652 = vector.shape_cast %reduce_sum3A_651 : vector<512xf32> to vector<1x512xf32>
    %dot_general3A_653 = arith.constant dense<0.000000e+00> : vector<1x96xf32>
    %dot_general3A_654 = tpu.matmul %broadcast_in_dim3A_652, %add3A_621, %dot_general3A_653 {dimension_numbers = #tpu.dot_dimension_numbers<[1], [0], [0], [1], [0, 0, 1, 1], [], []>, precision = #tpu.contract_precision<fp32>, transpose_lhs_hint = false} : vector<1x512xf32>, vector<512x96xf32>, vector<1x96xf32> -> vector<1x96xf32>
    %mul3A_655 = arith.constant 0.001953125 : f32
    %mul3A_656 = vector.broadcast %mul3A_655 : f32 to vector<1x96xf32>
    %mul3A_657 = arith.mulf %dot_general3A_654, %mul3A_656 : vector<1x96xf32>
    %swap3A_658 = arith.constant 5 : index
    %swap3A_659 = arith.constant 0 : index
    %swap3A_660 = arith.constant 0 : index
    %swap3A_661 = arith.constant 0 : index
    %swap3A_662 = vector.load %arg2[%swap3A_658, %swap3A_659, %swap3A_660, %swap3A_661] : memref<7x1x1x96xf32, #tpu.memory_space<vmem>>, vector<1x1x1x96xf32>
    %swap3A_663 = vector.shape_cast %swap3A_662 : vector<1x1x1x96xf32> to vector<1x96xf32>
    %swap3A_664 = vector.shape_cast %mul3A_657 : vector<1x96xf32> to vector<1x1x1x96xf32>
    tpu.vector_store %arg2[%swap3A_658, %swap3A_659, %swap3A_660, %swap3A_661], %swap3A_664 {strides = array<i32>} : memref<7x1x1x96xf32, #tpu.memory_space<vmem>>, vector<1x1x1x96xf32>,
    %get3A_665 = arith.constant 6 : index
    %get3A_666 = arith.constant 0 : index
    %get3A_667 = arith.constant 0 : index
    %get3A_668 = arith.constant 0 : index
    %get3A_669 = vector.load %arg1[%get3A_665, %get3A_666, %get3A_667, %get3A_668] : memref<8x1x512x128xf32, #tpu.memory_space<vmem>>, vector<1x1x512x128xf32>
    %get3A_670 = vector.shape_cast %get3A_669 : vector<1x1x512x128xf32> to vector<512x128xf32>
    %slice3A_671 = vector.extract_strided_slice %get3A_670 {offsets = [0, 0], sizes = [512, 96], strides = [1, 1]} : vector<512x128xf32> to vector<512x96xf32>
    %get3A_672 = arith.constant 7 : index
    %get3A_673 = arith.constant 0 : index
    %get3A_674 = arith.constant 0 : index
    %get3A_675 = arith.constant 0 : index
    %get3A_676 = vector.load %arg1[%get3A_672, %get3A_673, %get3A_674, %get3A_675] : memref<8x1x512x128xf32, #tpu.memory_space<vmem>>, vector<1x1x512x128xf32>
    %get3A_677 = vector.shape_cast %get3A_676 : vector<1x1x512x128xf32> to vector<512x128xf32>
    %slice3A_678 = vector.extract_strided_slice %get3A_677 {offsets = [0, 0], sizes = [512, 96], strides = [1, 1]} : vector<512x128xf32> to vector<512x96xf32>
    %mul3A_679 = arith.mulf %slice3A_671, %slice3A_671 : vector<512x96xf32>
    %reduce_sum3A_680 = arith.constant dense<0.000000e+00> : vector<512xf32>
    %reduce_sum3A_681 = vector.multi_reduction <add>, %mul3A_679, %reduce_sum3A_680 [1] : vector<512x96xf32> to vector<512xf32>
    %broadcast_in_dim3A_682 = vector.shape_cast %reduce_sum3A_681 : vector<512xf32> to vector<512x1xf32>
    %sqrt3A_683 = math.sqrt %broadcast_in_dim3A_682 : vector<512x1xf32>
    %max3A_684 = arith.constant 9.99999993E-9 : f32
    %max3A_685 = vector.broadcast %max3A_684 : f32 to vector<512x1xf32>
    %max3A_686 = arith.maximumf %sqrt3A_683, %max3A_685 : vector<512x1xf32>
    %div3A_687 = vector.broadcast %max3A_686 : vector<512x1xf32> to vector<512x96xf32>
    %div3A_688 = arith.divf %slice3A_671, %div3A_687 : vector<512x96xf32>
    %mul3A_689 = arith.mulf %slice3A_678, %slice3A_678 : vector<512x96xf32>
    %reduce_sum3A_690 = arith.constant dense<0.000000e+00> : vector<512xf32>
    %reduce_sum3A_691 = vector.multi_reduction <add>, %mul3A_689, %reduce_sum3A_690 [1] : vector<512x96xf32> to vector<512xf32>
    %broadcast_in_dim3A_692 = vector.shape_cast %reduce_sum3A_691 : vector<512xf32> to vector<512x1xf32>
    %sqrt3A_693 = math.sqrt %broadcast_in_dim3A_692 : vector<512x1xf32>
    %max3A_694 = arith.constant 9.99999993E-9 : f32
    %max3A_695 = vector.broadcast %max3A_694 : f32 to vector<512x1xf32>
    %max3A_696 = arith.maximumf %sqrt3A_693, %max3A_695 : vector<512x1xf32>
    %div3A_697 = vector.broadcast %max3A_696 : vector<512x1xf32> to vector<512x96xf32>
    %div3A_698 = arith.divf %slice3A_678, %div3A_697 : vector<512x96xf32>
    %dot_general3A_699 = arith.constant dense<0.000000e+00> : vector<512x512xf32>
    %dot_general3A_700 = tpu.matmul %div3A_688, %div3A_698, %dot_general3A_699 {dimension_numbers = #tpu.dot_dimension_numbers<[1], [1], [0], [0], [0, 0, 1, 0], [], []>, transpose_lhs_hint = false} : vector<512x96xf32>, vector<512x96xf32>, vector<512x512xf32> -> vector<512x512xf32>
    %reduce_max3A_701 = arith.constant dense<0xFF800000> : vector<512xf32>
    %reduce_max3A_702 = vector.multi_reduction <maximumf>, %dot_general3A_700, %reduce_max3A_701 [1] : vector<512x512xf32> to vector<512xf32>
    %broadcast_in_dim3A_703 = vector.shape_cast %reduce_max3A_702 : vector<512xf32> to vector<512x1xf32>
    %iota3A_704 = tpu.iota {dimensions = array<i32: 1>} : vector<512x512xi32>
    %eq3A_705 = vector.broadcast %broadcast_in_dim3A_703 : vector<512x1xf32> to vector<512x512xf32>
    %eq3A_706 = arith.cmpf oeq, %dot_general3A_700, %eq3A_705 : vector<512x512xf32>
    %jit3A_707 = arith.constant 512 : i32
    %broadcast_in_dim3A_708 = vector.broadcast %jit3A_707 : i32 to vector<512x512xi32>
    %select_n3A_709 = arith.select %eq3A_706, %iota3A_704, %broadcast_in_dim3A_708 : vector<512x512xi1>, vector<512x512xi32>
    %reduce_min3A_710 = arith.constant dense<2147483647> : vector<512xi32>
    %reduce_min3A_711 = vector.multi_reduction <minsi>, %select_n3A_709, %reduce_min3A_710 [1] : vector<512x512xi32> to vector<512xi32>
    %broadcast_in_dim3A_712 = vector.shape_cast %reduce_min3A_711 : vector<512xi32> to vector<512x1xi32>
    %iota3A_713 = tpu.iota {dimensions = array<i32: 1>} : vector<512x512xi32>
    %eq3A_714 = vector.broadcast %broadcast_in_dim3A_712 : vector<512x1xi32> to vector<512x512xi32>
    %eq3A_715 = arith.cmpi eq, %eq3A_714, %iota3A_713 : vector<512x512xi32>
    %convert_element_type3A_716 = arith.extui %eq3A_715 : vector<512x512xi1> to vector<512x512xi32>
    %convert_element_type3A_717 = arith.sitofp %convert_element_type3A_716 : vector<512x512xi32> to vector<512x512xf32>
    %add3A_718 = arith.addf %slice3A_671, %slice3A_678 : vector<512x96xf32>
    %mul3A_719 = arith.constant 5.000000e-01 : f32
    %mul3A_720 = vector.broadcast %mul3A_719 : f32 to vector<512x96xf32>
    %mul3A_721 = arith.mulf %add3A_718, %mul3A_720 : vector<512x96xf32>
    %convert_element_type3A_722 = arith.truncf %mul3A_721 : vector<512x96xf32> to vector<512x96xbf16>
    %convert_element_type3A_723 = arith.extf %convert_element_type3A_722 : vector<512x96xbf16> to vector<512x96xf32>
    %sub3A_724 = arith.subf %mul3A_721, %convert_element_type3A_723 : vector<512x96xf32>
    %convert_element_type3A_725 = arith.truncf %sub3A_724 : vector<512x96xf32> to vector<512x96xbf16>
    %convert_element_type3A_726 = arith.extf %convert_element_type3A_725 : vector<512x96xbf16> to vector<512x96xf32>
    %sub3A_727 = arith.subf %sub3A_724, %convert_element_type3A_726 : vector<512x96xf32>
    %dot_general3A_728 = arith.constant dense<0.000000e+00> : vector<512x96xf32>
    %dot_general3A_729 = tpu.matmul %convert_element_type3A_717, %convert_element_type3A_723, %dot_general3A_728 {dimension_numbers = #tpu.dot_dimension_numbers<[1], [0], [0], [1], [0, 0, 1, 1], [], []>, transpose_lhs_hint = false} : vector<512x512xf32>, vector<512x96xf32>, vector<512x96xf32> -> vector<512x96xf32>
    %dot_general3A_730 = arith.constant dense<0.000000e+00> : vector<512x96xf32>
    %dot_general3A_731 = tpu.matmul %convert_element_type3A_717, %convert_element_type3A_726, %dot_general3A_730 {dimension_numbers = #tpu.dot_dimension_numbers<[1], [0], [0], [1], [0, 0, 1, 1], [], []>, transpose_lhs_hint = false} : vector<512x512xf32>, vector<512x96xf32>, vector<512x96xf32> -> vector<512x96xf32>
    %add3A_732 = arith.addf %dot_general3A_729, %dot_general3A_731 : vector<512x96xf32>
    %dot_general3A_733 = arith.constant dense<0.000000e+00> : vector<512x96xf32>
    %dot_general3A_734 = tpu.matmul %convert_element_type3A_717, %sub3A_727, %dot_general3A_733 {dimension_numbers = #tpu.dot_dimension_numbers<[1], [0], [0], [1], [0, 0, 1, 1], [], []>, transpose_lhs_hint = false} : vector<512x512xf32>, vector<512x96xf32>, vector<512x96xf32> -> vector<512x96xf32>
    %add3A_735 = arith.addf %add3A_732, %dot_general3A_734 : vector<512x96xf32>
    %mul3A_736 = arith.mulf %add3A_735, %add3A_735 : vector<512x96xf32>
    %reduce_sum3A_737 = arith.constant dense<0.000000e+00> : vector<512xf32>
    %reduce_sum3A_738 = vector.multi_reduction <add>, %mul3A_736, %reduce_sum3A_737 [1] : vector<512x96xf32> to vector<512xf32>
    %broadcast_in_dim3A_739 = vector.shape_cast %reduce_sum3A_738 : vector<512xf32> to vector<512x1xf32>
    %sqrt3A_740 = math.sqrt %broadcast_in_dim3A_739 : vector<512x1xf32>
    %max3A_741 = arith.constant 9.99999993E-9 : f32
    %max3A_742 = vector.broadcast %max3A_741 : f32 to vector<512x1xf32>
    %max3A_743 = arith.maximumf %sqrt3A_740, %max3A_742 : vector<512x1xf32>
    %div3A_744 = vector.broadcast %max3A_743 : vector<512x1xf32> to vector<512x96xf32>
    %div3A_745 = arith.divf %add3A_735, %div3A_744 : vector<512x96xf32>
    %dot_general3A_746 = arith.constant dense<0.000000e+00> : vector<512x512xf32>
    %dot_general3A_747 = tpu.matmul %div3A_745, %div3A_745, %dot_general3A_746 {dimension_numbers = #tpu.dot_dimension_numbers<[1], [1], [0], [0], [0, 0, 1, 0], [], []>, transpose_lhs_hint = false} : vector<512x96xf32>, vector<512x96xf32>, vector<512x512xf32> -> vector<512x512xf32>
    %reduce_max3A_748 = arith.constant dense<0xFF800000> : vector<512xf32>
    %reduce_max3A_749 = vector.multi_reduction <maximumf>, %dot_general3A_747, %reduce_max3A_748 [1] : vector<512x512xf32> to vector<512xf32>
    %broadcast_in_dim3A_750 = vector.shape_cast %reduce_max3A_749 : vector<512xf32> to vector<512x1xf32>
    %iota3A_751 = tpu.iota {dimensions = array<i32: 1>} : vector<512x512xi32>
    %eq3A_752 = vector.broadcast %broadcast_in_dim3A_750 : vector<512x1xf32> to vector<512x512xf32>
    %eq3A_753 = arith.cmpf oeq, %dot_general3A_747, %eq3A_752 : vector<512x512xf32>
    %jit3A_754 = arith.constant 512 : i32
    %broadcast_in_dim3A_755 = vector.broadcast %jit3A_754 : i32 to vector<512x512xi32>
    %select_n3A_756 = arith.select %eq3A_753, %iota3A_751, %broadcast_in_dim3A_755 : vector<512x512xi1>, vector<512x512xi32>
    %reduce_min3A_757 = arith.constant dense<2147483647> : vector<512xi32>
    %reduce_min3A_758 = vector.multi_reduction <minsi>, %select_n3A_756, %reduce_min3A_757 [1] : vector<512x512xi32> to vector<512xi32>
    %broadcast_in_dim3A_759 = vector.shape_cast %reduce_min3A_758 : vector<512xi32> to vector<512x1xi32>
    %eq3A_760 = vector.broadcast %broadcast_in_dim3A_759 : vector<512x1xi32> to vector<512x512xi32>
    %eq3A_761 = arith.cmpi eq, %eq3A_760, %iota3A_713 : vector<512x512xi32>
    %convert_element_type3A_762 = arith.extui %eq3A_761 : vector<512x512xi1> to vector<512x512xi32>
    %convert_element_type3A_763 = arith.sitofp %convert_element_type3A_762 : vector<512x512xi32> to vector<512x512xf32>
    %reduce_sum3A_764 = arith.constant dense<0.000000e+00> : vector<512xf32>
    %reduce_sum3A_765 = vector.multi_reduction <add>, %convert_element_type3A_763, %reduce_sum3A_764 [0] : vector<512x512xf32> to vector<512xf32>
    %broadcast_in_dim3A_766 = vector.shape_cast %reduce_sum3A_765 : vector<512xf32> to vector<1x512xf32>
    %dot_general3A_767 = arith.constant dense<0.000000e+00> : vector<1x96xf32>
    %dot_general3A_768 = tpu.matmul %broadcast_in_dim3A_766, %add3A_735, %dot_general3A_767 {dimension_numbers = #tpu.dot_dimension_numbers<[1], [0], [0], [1], [0, 0, 1, 1], [], []>, precision = #tpu.contract_precision<fp32>, transpose_lhs_hint = false} : vector<1x512xf32>, vector<512x96xf32>, vector<1x96xf32> -> vector<1x96xf32>
    %mul3A_769 = arith.constant 0.001953125 : f32
    %mul3A_770 = vector.broadcast %mul3A_769 : f32 to vector<1x96xf32>
    %mul3A_771 = arith.mulf %dot_general3A_768, %mul3A_770 : vector<1x96xf32>
    %swap3A_772 = arith.constant 6 : index
    %swap3A_773 = arith.constant 0 : index
    %swap3A_774 = arith.constant 0 : index
    %swap3A_775 = arith.constant 0 : index
    %swap3A_776 = vector.load %arg2[%swap3A_772, %swap3A_773, %swap3A_774, %swap3A_775] : memref<7x1x1x96xf32, #tpu.memory_space<vmem>>, vector<1x1x1x96xf32>
    %swap3A_777 = vector.shape_cast %swap3A_776 : vector<1x1x1x96xf32> to vector<1x96xf32>
    %swap3A_778 = vector.shape_cast %mul3A_771 : vector<1x96xf32> to vector<1x1x1x96xf32>
    tpu.vector_store %arg2[%swap3A_772, %swap3A_773, %swap3A_774, %swap3A_775], %swap3A_778 {strides = array<i32>} : memref<7x1x1x96xf32, #tpu.memory_space<vmem>>, vector<1x1x1x96xf32>,
    return
  }
  func.func @transform_0(%arg0: i32) -> (i32, i32, i32, i32) {
    %c0_i32 = arith.constant 0 : i32
    %c0_i32_0 = arith.constant 0 : i32
    %c0_i32_1 = arith.constant 0 : i32
    %c0_i32_2 = arith.constant 0 : i32
    return %c0_i32, %arg0, %c0_i32_0, %c0_i32_1 : i32, i32, i32, i32
  }
  func.func @transform_1(%arg0: i32) -> (i32, i32, i32, i32) {
    %c0_i32 = arith.constant 0 : i32
    %c0_i32_0 = arith.constant 0 : i32
    %c0_i32_1 = arith.constant 0 : i32
    %c0_i32_2 = arith.constant 0 : i32
    return %c0_i32, %arg0, %c0_i32_0, %c0_i32_1 : i32, i32, i32, i32
  }
}

</mosaic_0001>

<sc_bundles>
// kernel: kernel.5.cloned.1.call-start
scs
__scs_entry_jumppad:
0x0: {  	(pc) =	sbr.rel $0x88, $3  }
0x1: {  	(tag) =	ssettag $0x0;
	lr =	simm.s32 $0x1  }
0x2: {  	[smem:$0x3F9F] =	sst lr;
	_ =	strace $0xD0000000  }
0x3: {  	_ = 	snop  }
0x4: {  	_ = 	snop  }
0x5: {  	_ = 	snop  }
0x6: {  	_ = 	snop  }
0x7: {  	_ = 	snop  }
__scs_overlays_trampoline_lowered:
0x8: {  	[smem:$0x3FAE] =	sst s0  }
0x9: {  	[smem:$0x3FAF] =	sst s1  }
0xa: {  	[smem:$0x3FB0] =	sst s2  }
0xb: {  	[smem:$0x3FB1] =	sst s3  }
0xc: {  	[smem:$0x3FB2] =	sst s4  }
0xd: {  	[smem:$0x3FB3] =	sst s5  }
0xe: {  	[smem:$0x3FB4] =	sst s6  }
0xf: {  	[smem:$0x3FB5] =	sst s7  }
0x10: {  	[smem:$0x3FB6] =	sst s8  }
0x11: {  	[smem:$0x3FB7] =	sst s9;
	s0 =	simm.s32 @!p0 $0x0  }
0x12: {  	s1 =	sld [smem:$0x3F9D];
	s0 =	simm.s32 @p0 $0x1  }
0x13: {  	[smem:$0x3FB8] =	sst s0;
	s0 =	simm.s32 @!p1 $0x0  }
0x14: {  	s2 =	sld [smem:$0x3F9C];
	s0 =	simm.s32 @p1 $0x1  }
0x15: {  	[smem:$0x3FB9] =	sst s0;
	s0 =	simm.s32 @!p2 $0x0  }
0x16: {  	s3 =	sld [smem:$0x3FDB];
	s0 =	simm.s32 @p2 $0x1  }
0x17: {  	s4 =	simm.s32 $0x1BF5;
	[smem:$0x3FBB] =	sst s0  }
0x18: {  	s0 =	sld [smem:$0x3F9E];
	_ =	swait.ge [sflag:s4], $0x0  }
0x19: {  	s7 =	sld [smem:$0x3F9F]  }
0x1a: {  	s8 =	sadd.s32 $0xFFFFE003, lr  }
0x1b: {  	s9 =	sadd.s32 $0xFFFFFEF7, lr;
	s5 =	simm.s32 $0xFFFFFFFF;
	p2 =	slt.u32 s8, $0xFFFFF086  }
0x1c: {  	p1 =	slt.u32 s9, $0xF7A;
	s5 =	simm.s32 @!p2 $0x0  }
0x1d: {  	s5 =	simm.s32 @p1 $0x1;
	p0 =	seq.s32 s7, s2  }
0x1e: {  	s7 =	smul.u32 @!p0 $0xF7A, s2;
	p2 =	seq.s32 @!p0 s5, $0x0  }
0x1f: {  	s9 =	smul.u32 $0xF7A, s1;
	s8 =	simm.s32 @!p0 $0x1BF5;
	p2 =	por !p2, p0  }
0x20: {  	[sflag:s8] =	ssyncset.s32 @!p0 $0xFFFFF086;
	s6 =	sadd.s32 @!p0 s3, s7;
	s7 =	simm.s32 @!p0 $0x108  }
0x21: {  	s3 =	sadd.s32 s3, s9;
	s6 =	sadd.s32 @!p0 $0x88, s6;
	s7 =	simm.s32 @p2 $0x1082  }
0x22: {  	[simem:s7], [sflag:s8] =	dma.local @!p0 [hbm:s6], $0xF7A  }
0x23: {  	s9 =	sor.u32 $0xD0000000, s2;
	s6 =	simm.s32 $0x108;
	_ =	swait.ge @!p0 [sflag:s8], $0x0  }
0x24: {  	s3 =	sadd.s32 $0x88, s3;
	s6 =	simm.s32 @!p1 $0x1082;
	[sflag:s4] =	ssyncset.s32 $0xFFFFF086  }
0x25: {  	[simem:s6], [sflag:s4] =	dma.local [hbm:s3], $0xF7A  }
0x26: {  	[smem:$0x3F9F] =	sst s1;
	(tag) =	ssettag s2;
	_ =	strace s9  }
0x27: {  	s1 =	sld [smem:$0x3FAF]  }
0x28: {  	s2 =	sld [smem:$0x3FB0]  }
0x29: {  	s4 =	sld [smem:$0x3FB2]  }
0x2a: {  	p0 =	seq.s32 s5, $0x0;
	s5 =	sld [smem:$0x3FB3]  }
0x2b: {  	s6 =	sld [smem:$0x3FB4]  }
0x2c: {  	s7 =	sld [smem:$0x3FB5]  }
0x2d: {  	s3 =	simm.s32 $0x108;
	s8 =	sld [smem:$0x3FB6]  }
0x2e: {  	s3 =	simm.s32 @!p0 $0x1082;
	s9 =	sld [smem:$0x3FB7]  }
0x2f: {  	lr =	sadd.s32 s0, s3;
	s0 =	sld [smem:$0x3FAE]  }
0x30: {  	s3 =	sld [smem:$0x3FB1]  }
0x31: {  	[smem:$0x3FBA] =	sst s10  }
0x32: {  	s10 =	sld [smem:$0x3FB8];
	_ =	sdelay $0x3  }
0x33: {  	p0 =	seq.s32 s10, $0x1;
	s10 =	sld [smem:$0x3FBA];
	_ =	sdelay $0x3  }
0x34: {  	[smem:$0x3FBA] =	sst s10  }
0x35: {  	s10 =	sld [smem:$0x3FB9];
	_ =	sdelay $0x3  }
0x36: {  	p1 =	seq.s32 s10, $0x1;
	s10 =	sld [smem:$0x3FBA];
	_ =	sdelay $0x3  }
0x37: {  	[smem:$0x3FBA] =	sst s10  }
0x38: {  	s10 =	sld [smem:$0x3FBB]  }
0x39: {  	_ = 	snop;
	(pc) =	sbr.ind lr, $3  }
0x3a: {  	_ = 	snop  }
0x3b: {  	_ = 	snop  }
0x3c: {  	p2 =	seq.s32 s10, $0x1;
	s10 =	sld [smem:$0x3FBA]  }
0x3d: {  	_ =	shalt  }
0x3e: {  	_ =	shalt  }
0x3f: {  	_ =	shalt  }
0x40: {  	_ =	shalt  }
0x41: {  	_ =	shalt  }
0x42: {  	_ =	shalt  }
0x43: {  	_ =	shalt  }
0x44: {  	_ =	shalt  }
0x45: {  	_ =	shalt  }
0x46: {  	_ =	shalt  }
0x47: {  	_ =	shalt  }
0x48: {  	_ =	shalt  }
0x49: {  	_ =	shalt  }
0x4a: {  	_ =	shalt  }
0x4b: {  	_ =	shalt  }
0x4c: {  	_ =	shalt  }
0x4d: {  	_ =	shalt  }
0x4e: {  	_ =	shalt  }
0x4f: {  	_ =	shalt  }
0x50: {  	_ =	shalt  }
0x51: {  	_ =	shalt  }
0x52: {  	_ =	shalt  }
0x53: {  	_ =	shalt  }
0x54: {  	_ =	shalt  }
0x55: {  	_ =	shalt  }
0x56: {  	_ =	shalt  }
0x57: {  	_ =	shalt  }
0x58: {  	_ =	shalt  }
0x59: {  	_ =	shalt  }
0x5a: {  	_ =	shalt  }
0x5b: {  	_ =	shalt  }
0x5c: {  	_ =	shalt  }
0x5d: {  	_ =	shalt  }
0x5e: {  	_ =	shalt  }
0x5f: {  	_ =	shalt  }
0x60: {  	_ =	shalt  }
0x61: {  	_ =	shalt  }
0x62: {  	_ =	shalt  }
0x63: {  	_ =	shalt  }
0x64: {  	_ =	shalt  }
0x65: {  	_ =	shalt  }
0x66: {  	_ =	shalt  }
0x67: {  	_ =	shalt  }
0x68: {  	_ =	shalt  }
0x69: {  	_ =	shalt  }
0x6a: {  	_ =	shalt  }
0x6b: {  	_ =	shalt  }
0x6c: {  	_ =	shalt  }
0x6d: {  	_ =	shalt  }
0x6e: {  	_ =	shalt  }
0x6f: {  	_ =	shalt  }
0x70: {  	_ =	shalt  }
0x71: {  	_ =	shalt  }
0x72: {  	_ =	shalt  }
0x73: {  	_ =	shalt  }
0x74: {  	_ =	shalt  }
0x75: {  	_ =	shalt  }
0x76: {  	_ =	shalt  }
0x77: {  	_ =	shalt  }
0x78: {  	_ =	shalt  }
0x79: {  	_ =	shalt  }
0x7a: {  	_ =	shalt  }
0x7b: {  	_ =	shalt  }
0x7c: {  	_ =	shalt  }
0x7d: {  	_ =	shalt  }
0x7e: {  	_ =	shalt  }
0x7f: {  	_ =	shalt  }
0x80: {  	_ =	shalt  }
0x81: {  	_ =	shalt  }
0x82: {  	_ =	shalt  }
0x83: {  	_ =	shalt  }
0x84: {  	_ =	shalt  }
0x85: {  	_ =	shalt  }
0x86: {  	_ =	shalt  }
0x87: {  	_ =	shalt  }
.Lfunc_end0:
.L_simem_size_0:
called_computation_lowered:
.L_overlay_start_0:
0x88: {  	s2 =	sld [smem:$0x3FD9]  }
0x89: {  	s3 =	sld [smem:$0x3FFE];
	_ =	sdelay $0x1  }
0x8a: {  	s1 =	srdreg.scid  }
0x8b: {  	s0 =	sand.u32 $0x1, s1  }
0x8c: {  	s16 =	sshll.u32 s0, $0xA;
	s2 =	sadd.s32 s3, s2  }
0x8d: {  	s2 =	sadd.s32 s2, s16  }
0x8e: {  	[smem:$0x3FC6] =	sst s2  }
0x8f: {  	_ = 	snop  }
0x90: {  	(tm) =	ssettm $0x1  }
0x91: {  	s17 =	sld [smem:$0x3FFB];
	_ =	sdelay $0x3  }
0x92: {  	_ =	strace s17  }
0x93: {  	s2 =	sld [smem:$0x3FFC];
	_ =	sdelay $0x3  }
0x94: {  	_ =	strace s2  }
0x95: {  	s2 =	sld [smem:$0x3FFD];
	_ =	sdelay $0x3  }
0x96: {  	_ =	strace s2  }
0x97: {  	_ =	strace $0x8FFFFFFF  }
0x98: {  	s18 =	sld [smem:$0x3FDB];
	_ =	sdelay $0x1  }
0x99: {  	s19 =	simm.s32 $_scs_section_size  }
0x9a: {  	s4 =	simm.s32 $_size__tile_overlayer_lowered;
	s5 =	simm.s32 $_tile_overlayer_lowered  }
0x9b: {  	s22 =	simm.s32 $0x1BFF;
	s21 =	sshll.u32 s5, $0x1;
	s2 =	sadd.s32 s19, s18  }
0x9c: {  	s6 =	simm.s32 $0x0;
	s20 =	sshll.u32 s4, $0x1;
	s4 =	sadd.s32 s21, s2  }
0x9d: {  	[timem:s6], [sflag:s22] =	dma.local [hbm:s4], s20  }
0x9e: {  	_ =	swait.ge [sflag:s22], s20  }
0x9f: {  	s3 =	ssub.s32 $0x0, s20;
	[sflag:s22] =	ssyncset.done $0x0  }
0xa0: {  	[sflag:s22] =	ssyncadd.s32 s3;
	_ =	sdelay $0x1  }
0xa1: {  	s23 =	simm.s32 $0x1B8B  }
0xa2: {  	_ =	swait.ge [sflag:s23], $0x1  }
0xa3: {  	[sflag:s23] =	ssyncset.done $0x0  }
0xa4: {  	s25 =	simm.s32 $0x1B8E;
	s24 =	sld [smem:$0x3FFE];
	[sflag:s23] =	ssyncadd.s32 $0xFFFFFFFF  }
0xa5: {  	s26 =	simm.s32 $execute0_lowered;
	[smem:$0x3FD2] =	sst s25  }
0xa6: {  	s4 =	sshll.u32 s26, $0x1;
	_ =	strace $0x80000046;
	[dreg:$0x1] =	wrdreg $0xFFFFFFFF  }
0xa7: {  	s28 =	simm.s32 $_size_execute0_lowered;
	s2 =	sadd.s32 s2, s4;
	[dreg:$0x0] =	wrdreg $0x0  }
0xa8: {  	s4 =	sshll.u32 s28, $0x1;
	[dreg:$0x2] =	wrdreg s2  }
0xa9: {  	[dreg:$0x3] =	wrdreg s4  }
0xaa: {  	[dreg:$0x4] =	wrdreg $0xC0  }
0xab: {  	_ =	task [dreg:s6], $0x5FFFF  }
0xac: {  	[dreg:$0x1] =	wrdreg $0xFFFFFFFF  }
0xad: {  	[dreg:$0x0] =	wrdreg $0x60  }
0xae: {  	[dreg:$0x2] =	wrdreg s24  }
0xaf: {  	[dreg:$0x3] =	wrdreg $0x9  }
0xb0: {  	_ =	task.clear_ibuf [dreg:s6], $0x4FFFF;
	_ =	strace $0x90000046  }
0xb1: {  	s29 =	simm.s32 $0x9;
	_ =	strace $0x80000048  }
0xb2: {  	_ =	swait.ge [sflag:s29], $0x1  }
0xb3: {  	[sflag:s29] =	ssyncadd.s32 $0xFFFFFFFF  }
0xb4: {  	_ =	strace $0x90000048  }
0xb5: {  	_ =	sfence  }
0xb6: {  	s30 =	sld [smem:$0x0];
	_ =	sdelay $0x2  }
0xb7: {  	s31 =	sshll.u32 s1, $0xD;
	s1 =	sshrl.u32 s1, $0x2  }
0xb8: {  	s3 =	sand.u32 $0x4000, s31;
	s1 =	sadd.s32 s1, s30  }
0xb9: {  	s0 =	sor.u32 s3, s0;
	s1 =	sshll.u32 s1, $0x11  }
0xba: {  	s0 =	sor.u32 s1, s0  }
0xbb: {  	s0 =	sadd.s32 $0x8F2B, s0  }
0xbc: {  	[sflag:s0] =	ssyncadd.remote.s32 $0x1  }
0xbd: {  	_ =	sfence.sel $0xFFFF  }
0xbe: {  	[dreg:$0x0] =	wrdreg $0xFFFFFFFF;
	(pc) =	sbr.abs _section_cstart, $3  }
0xbf: {  	[dreg:$0x1] =	wrdreg $0xFFFFFFFF  }
0xc0: {  	_ =	task.clear_ibuf [dreg:s6], $0x2FFFF;
	_ =	strace $0x9FFFFFFF  }
0xc1: {  	(tm) =	ssettm $0x7FFFFFFF  }
tec
execute0_lowered:
.L_overlay_start_1:
0x0: {  	(tag) =	ssettag $0x1  }
0x1: {  	s1 =	srdreg.scid  }
0x2: {  	s0 =	stileid.u32;
	s19 =	sand.u32 $0x1, s1  }
0x3: {  	s30 =	sshll.u32 s0, $0xB;
	s2 =	sshll.u32 s19, $0xA  }
0x4: {  	s14 =	rddreg [dreg:$0x0];
	s15 =	sor.u32 s2, s30  }
0x5: {  	s1 =	rddreg [dreg:$0x1];
	s2 =	simm.s32 $0x0;
	s3 =	sshrl.u32 s15, $0x3  }
0x6: {  	[smem:$0x7FF] =	sst s2;
	s3 =	sadd.s32 s3, s14  }
0x7: {  	_ =	strace $0x80000047;
	s4 =	sadd.s32 $0x600, s3;
	s3 =	simm.s32 $0x2  }
0x8: {  	[tilespmem:s2], [sflag:$0x2] =	stream.linear.gather [hbm4b:s4+s2], $0x400, $0x38;
	[tilespmem:$0x10400] =	vst v63  }
0x9: {  	_ =	swait.ge [sflag:s3], $0x400  }
0xa: {  	s6 =	simm.s32 $0x80;
	[sflag:s3] =	ssyncset.done $0x0  }
0xb: {  	s7 =	simm.s32 $0x400;
	s5 =	sadd.s32 $0x100600, s14;
	[sflag:s3] =	ssyncadd.s32 $0xFFFFFC00  }
0xc: {  	[tilespmem:s7], [sflag:$0x1] =	stream.indirect.gather [hbm4b:s5+s6], $0x80, s2, s6, $0xb8;
	[tilespmem:$0x10400] =	vst v63  }
0xd: {  	s8 =	simm.s32 $0x4400  }
0xe: {  	[tilespmem:s8], [sflag:$0x1] =	stream.indirect.gather [hbm4b:s5+s6], $0x80, s6, s6, $0xb8;
	[tilespmem:$0x10400] =	vst v63  }
0xf: {  	s9 =	simm.s32 $0x100;
	s10 =	simm.s32 $0x8400  }
0x10: {  	[tilespmem:s10], [sflag:$0x1] =	stream.indirect.gather [hbm4b:s5+s6], $0x80, s9, s6, $0xb8;
	[tilespmem:$0x10400] =	vst v63  }
0x11: {  	s11 =	simm.s32 $0x180;
	s12 =	simm.s32 $0xC400;
	s13 =	simm.s32 $0x1  }
0x12: {  	[tilespmem:s12], [sflag:$0x1] =	stream.indirect.gather [hbm4b:s5+s6], $0x80, s11, s6, $0xb8;
	[tilespmem:$0x10400] =	vst v63  }
0x13: {  	_ =	swait.ge [sflag:s13], $0x4000  }
0x14: {  	[sflag:s13] =	ssyncset.done $0x0  }
0x15: {  	[sflag:s13] =	ssyncadd.s32 $0xFFFFC000  }
0x16: {  	_ =	swait.ge [sflag:s13], $0x4000  }
0x17: {  	[sflag:s13] =	ssyncset.done $0x0  }
0x18: {  	[sflag:s13] =	ssyncadd.s32 $0xFFFFC000  }
0x19: {  	_ =	swait.ge [sflag:s13], $0x4000  }
0x1a: {  	[sflag:s13] =	ssyncset.done $0x0  }
0x1b: {  	[sflag:s13] =	ssyncadd.s32 $0xFFFFC000  }
0x1c: {  	s15 =	sshll.u32 s15, $0x4;
	_ =	swait.ge [sflag:s13], $0x4000  }
0x1d: {  	s20 =	sadd.s32 s15, s14;
	[sflag:s13] =	ssyncset.done $0x0  }
0x1e: {  	s14 =	sadd.s32 $0x1600, s20;
	[sflag:s13] =	ssyncadd.s32 $0xFFFFC000  }
0x1f: {  	[hbm4b:s14+s2] =	stream.linear.scatter [tilespmem:s7], [sflag:$0x2], $0x10000, $0x38;
	[tilespmem:$0x10400] =	vst v63  }
0x20: {  	_ =	swait.ge [sflag:s3], $0x10000  }
0x21: {  	[sflag:s3] =	ssyncset.done $0x0  }
0x22: {  	s15 =	simm.s32 $0x200;
	[sflag:s3] =	ssyncadd.s32 $0xFFFF0000  }
0x23: {  	[tilespmem:s7], [sflag:$0x1] =	stream.indirect.gather [hbm4b:s5+s6], $0x80, s15, s6, $0xb8;
	[tilespmem:$0x10400] =	vst v63  }
0x24: {  	s16 =	simm.s32 $0x280  }
0x25: {  	[tilespmem:s8], [sflag:$0x1] =	stream.indirect.gather [hbm4b:s5+s6], $0x80, s16, s6, $0xb8;
	[tilespmem:$0x10400] =	vst v63  }
0x26: {  	s17 =	simm.s32 $0x300  }
0x27: {  	[tilespmem:s10], [sflag:$0x1] =	stream.indirect.gather [hbm4b:s5+s6], $0x80, s17, s6, $0xb8;
	[tilespmem:$0x10400] =	vst v63  }
0x28: {  	s18 =	simm.s32 $0x380  }
0x29: {  	[tilespmem:s12], [sflag:$0x1] =	stream.indirect.gather [hbm4b:s5+s6], $0x80, s18, s6, $0xb8;
	[tilespmem:$0x10400] =	vst v63  }
0x2a: {  	_ =	swait.ge [sflag:s13], $0x4000  }
0x2b: {  	[sflag:s13] =	ssyncset.done $0x0  }
0x2c: {  	[sflag:s13] =	ssyncadd.s32 $0xFFFFC000  }
0x2d: {  	_ =	swait.ge [sflag:s13], $0x4000  }
0x2e: {  	[sflag:s13] =	ssyncset.done $0x0  }
0x2f: {  	s19 =	ssub.s32 $0x2, s19;
	[sflag:s13] =	ssyncadd.s32 $0xFFFFC000  }
0x30: {  	s21 =	sshrl.u32 s19, $0x1;
	_ =	swait.ge [sflag:s13], $0x4000  }
0x31: {  	s21 =	ssub.s32 s19, s21;
	[sflag:s13] =	ssyncset.done $0x0  }
0x32: {  	s31 =	smax.u32 s21, $0x1;
	[sflag:s13] =	ssyncadd.s32 $0xFFFFC000  }
0x33: {  	p0 =	sne.s32 s31, $0x1;
	_ =	swait.ge [sflag:s13], $0x4000  }
.Ltmp0:
0x34: {  	[sflag:s13] =	ssyncset.done $0x0;
	(pc) =	sbr.rel @!p0 .LBB2_2-.Ltmp0, $4  }
0x35: {  	s19 =	sadd.s32 $0x3600, s20;
	[sflag:s13] =	ssyncadd.s32 $0xFFFFC000  }
0x36: {  	[hbm4b:s19+s2] =	stream.linear.scatter [tilespmem:s7], [sflag:$0x2], $0x10000, $0x38;
	[tilespmem:$0x10400] =	vst v63  }
0x37: {  	_ =	swait.ge [sflag:s3], $0x10000  }
0x38: {  	s20 =	sadd.s32 $0xFFFFFFFF, s31;
	[sflag:s3] =	ssyncset.done $0x0  }
.LBB2_1:
0x39: {  	p0 =	sne.s32 s20, $0x1;
	s20 =	sadd.s32 $0xFFFFFFFF, s20;
	[sflag:s3] =	ssyncadd.s32 $0xFFFF0000  }
0x3a: {  	[tilespmem:s2], [sflag:$0x2] =	stream.linear.gather [hbm4b:s4+s2], $0x400, $0x38;
	[tilespmem:$0x10400] =	vst v63  }
0x3b: {  	_ =	swait.ge [sflag:s3], $0x400  }
0x3c: {  	[sflag:s3] =	ssyncset.done $0x0  }
0x3d: {  	[sflag:s3] =	ssyncadd.s32 $0xFFFFFC00  }
0x3e: {  	[tilespmem:s7], [sflag:$0x1] =	stream.indirect.gather [hbm4b:s5+s6], $0x80, s2, s6, $0xb8;
	[tilespmem:$0x10400] =	vst v63  }
0x3f: {  	_ = 	snop  }
0x40: {  	[tilespmem:s8], [sflag:$0x1] =	stream.indirect.gather [hbm4b:s5+s6], $0x80, s6, s6, $0xb8;
	[tilespmem:$0x10400] =	vst v63  }
0x41: {  	_ = 	snop  }
0x42: {  	[tilespmem:s10], [sflag:$0x1] =	stream.indirect.gather [hbm4b:s5+s6], $0x80, s9, s6, $0xb8;
	[tilespmem:$0x10400] =	vst v63  }
0x43: {  	_ = 	snop  }
0x44: {  	[tilespmem:s12], [sflag:$0x1] =	stream.indirect.gather [hbm4b:s5+s6], $0x80, s11, s6, $0xb8;
	[tilespmem:$0x10400] =	vst v63  }
0x45: {  	_ =	swait.ge [sflag:s13], $0x4000  }
0x46: {  	[sflag:s13] =	ssyncset.done $0x0  }
0x47: {  	[sflag:s13] =	ssyncadd.s32 $0xFFFFC000  }
0x48: {  	_ =	swait.ge [sflag:s13], $0x4000  }
0x49: {  	[sflag:s13] =	ssyncset.done $0x0  }
0x4a: {  	[sflag:s13] =	ssyncadd.s32 $0xFFFFC000  }
0x4b: {  	_ =	swait.ge [sflag:s13], $0x4000  }
0x4c: {  	[sflag:s13] =	ssyncset.done $0x0  }
0x4d: {  	[sflag:s13] =	ssyncadd.s32 $0xFFFFC000  }
0x4e: {  	_ =	swait.ge [sflag:s13], $0x4000  }
0x4f: {  	[sflag:s13] =	ssyncset.done $0x0  }
0x50: {  	[sflag:s13] =	ssyncadd.s32 $0xFFFFC000  }
0x51: {  	[hbm4b:s14+s2] =	stream.linear.scatter [tilespmem:s7], [sflag:$0x2], $0x10000, $0x38;
	[tilespmem:$0x10400] =	vst v63  }
0x52: {  	_ =	swait.ge [sflag:s3], $0x10000  }
0x53: {  	[sflag:s3] =	ssyncset.done $0x0  }
0x54: {  	[sflag:s3] =	ssyncadd.s32 $0xFFFF0000  }
0x55: {  	[tilespmem:s7], [sflag:$0x1] =	stream.indirect.gather [hbm4b:s5+s6], $0x80, s15, s6, $0xb8;
	[tilespmem:$0x10400] =	vst v63  }
0x56: {  	_ = 	snop  }
0x57: {  	[tilespmem:s8], [sflag:$0x1] =	stream.indirect.gather [hbm4b:s5+s6], $0x80, s16, s6, $0xb8;
	[tilespmem:$0x10400] =	vst v63  }
0x58: {  	_ = 	snop  }
0x59: {  	[tilespmem:s10], [sflag:$0x1] =	stream.indirect.gather [hbm4b:s5+s6], $0x80, s17, s6, $0xb8;
	[tilespmem:$0x10400] =	vst v63  }
0x5a: {  	_ = 	snop  }
0x5b: {  	[tilespmem:s12], [sflag:$0x1] =	stream.indirect.gather [hbm4b:s5+s6], $0x80, s18, s6, $0xb8;
	[tilespmem:$0x10400] =	vst v63  }
0x5c: {  	_ =	swait.ge [sflag:s13], $0x4000  }
0x5d: {  	[sflag:s13] =	ssyncset.done $0x0  }
0x5e: {  	[sflag:s13] =	ssyncadd.s32 $0xFFFFC000  }
0x5f: {  	_ =	swait.ge [sflag:s13], $0x4000  }
0x60: {  	[sflag:s13] =	ssyncset.done $0x0  }
0x61: {  	[sflag:s13] =	ssyncadd.s32 $0xFFFFC000  }
0x62: {  	_ =	swait.ge [sflag:s13], $0x4000  }
0x63: {  	[sflag:s13] =	ssyncset.done $0x0  }
0x64: {  	[sflag:s13] =	ssyncadd.s32 $0xFFFFC000  }
0x65: {  	_ =	swait.ge [sflag:s13], $0x4000  }
.Ltmp1:
0x66: {  	[sflag:s13] =	ssyncset.done $0x0;
	(pc) =	sbr.rel @p0 .LBB2_1-.Ltmp1, $4  }
0x67: {  	[sflag:s13] =	ssyncadd.s32 $0xFFFFC000  }
0x68: {  	[hbm4b:s19+s2] =	stream.linear.scatter [tilespmem:s7], [sflag:$0x2], $0x10000, $0x38;
	[tilespmem:$0x10400] =	vst v63  }
0x69: {  	_ =	swait.ge [sflag:s3], $0x10000  }
0x6a: {  	[sflag:s3] =	ssyncset.done $0x0  }
.LBB2_2:
0x6b: {  	[sflag:s3] =	ssyncadd.s32 $0xFFFF0000  }
0x6c: {  	_ =	sfence.sel $0x180000  }
0x6d: {  	[bflag:$0x0] =	sbarrier.arrive $0xFFFF  }
0x6e: {  	p0 =	sne.s32 s0, $0x0;
	_ =	strace $0x90000047  }
0x6f: {  	s0 =	sadd.s32 @!p0 $0x100000, s1;
	[bflag:$0x2] =	sbarrier.arrive $0xFFFF  }
0x70: {  	[sflag:s0] =	ssyncadd.tile.s32 @!p0 $0x1;
	_ =	shalt  }
.Lfunc_end2:
_tile_overlayer_lowered:
.L_overlay_start_2:
0x71: {  	(tag) =	ssettag $0x2  }
0x72: {  	s0 =	rddreg [dreg:$0x0];
	s2 =	stileid.u32  }
0x73: {  	s1 =	rddreg [dreg:$0x1];
	p0 =	sne.s32 s2, $0x0  }
0x74: {  	s3 =	rddreg [dreg:$0x2];
	[bflag:$0x3] =	sbarrier.arrive $0xFFFF;
	s2 =	simm.s32 @!p0 $0x1C02  }
0x75: {  	[timem:s3], [sflag:s2] =	dma.local @!p0 [hbm:s0], s1  }
0x76: {  	s0 =	simm.s32 @!p0 $0x2  }
0x77: {  	_ =	swait.ge @!p0 [sflag:s0], s1  }
0x78: {  	s1 =	ssub.s32 @!p0 $0x0, s1;
	[sflag:s0] =	ssyncset.done @!p0 $0x0  }
0x79: {  	[sflag:s0] =	ssyncadd.s32 @!p0 s1  }
0x7a: {  	[bflag:$0x3] =	sbarrier.arrive $0xFFFF  }
0x7b: {  	_ =	shalt  }

</sc_bundles>
